<compile_context>
chip_gen: v7x
topology: tpu7x:2x2x1
jax: 0.10.2.dev20260603
libtpu: 0.0.44.dev20260713+nightly
codegen_flags: <defaults>
</compile_context>

<pallas_src>
import functools

import jax
import jax.numpy as jnp
from jax import lax
from jax.experimental import pallas as pl
from jax.experimental.pallas import tpu as pltpu
from jax.experimental.pallas import tpu_sc as plsc

NBITS = 16
HIDDEN = 128
BATCH = 32
T = 8192

NUM_CORES = 2
NUM_SUBCORES = 16
LANES = 16

B_BLK = 8
T_BLK = 2048


def _sc_bias_body(msg_hbm, emb_hbm, bias_hbm, msg_v, idx_v, rows_v, acc_v, sem):
    wid = lax.axis_index("s") * NUM_CORES + lax.axis_index("c")
    pltpu.sync_copy(msg_hbm.at[wid], msg_v)
    idx_v[...] = 2 * lax.iota(jnp.int32, LANES) + msg_v[...]
    pltpu.async_copy(emb_hbm.at[idx_v], rows_v, sem).wait()
    for h in range(HIDDEN // LANES):
        acc = rows_v[0, pl.ds(h * LANES, LANES)]
        for i in range(1, NBITS):
            acc = acc + rows_v[i, pl.ds(h * LANES, LANES)]
        acc_v[pl.ds(h * LANES, LANES)] = acc
    pltpu.sync_copy(acc_v, bias_hbm.at[wid])


_sc_bias = functools.partial(
    pl.kernel,
    mesh=plsc.VectorSubcoreMesh(core_axis_name="c", subcore_axis_name="s"),
    out_type=jax.ShapeDtypeStruct((BATCH, HIDDEN), jnp.float32),
    scratch_types=[
        pltpu.VMEM((NBITS,), jnp.int32),
        pltpu.VMEM((NBITS,), jnp.int32),
        pltpu.VMEM((NBITS, HIDDEN), jnp.float32),
        pltpu.VMEM((HIDDEN,), jnp.float32),
        pltpu.SemaphoreType.DMA,
    ],
)(_sc_bias_body)


def _add_body(bias_ref, hid_ref, out_ref):
    out_ref[...] = hid_ref[...] + bias_ref[...][:, :, None]


@functools.partial(jax.jit, donate_argnums=())
def kernel(hidden, msg, emb_table):
    bias = _sc_bias(msg.astype(jnp.int32), emb_table)

    grid = (BATCH // B_BLK, T // T_BLK)
    out = pl.pallas_call(
        _add_body,
        grid=grid,
        in_specs=[
            pl.BlockSpec((B_BLK, HIDDEN), lambda b, t: (b, 0)),
            pl.BlockSpec((B_BLK, HIDDEN, T_BLK), lambda b, t: (b, 0, t)),
        ],
        out_specs=pl.BlockSpec((B_BLK, HIDDEN, T_BLK), lambda b, t: (b, 0, t)),
        out_shape=jax.ShapeDtypeStruct((BATCH, HIDDEN, T), jnp.float32),
        compiler_params=pltpu.CompilerParams(
            dimension_semantics=("parallel", "parallel"),
        ),
    )(bias, hidden)
    return out

# --- scband reference (transcript-rebuilt; emitter-appended) ---
"""Pipeline reference for scband-msg-processor-652835029710 (READ-ONLY COPY).

The authoritative reference and input builder live on the scoring server;
editing this copy changes nothing except your own understanding.
"""

import jax, jax.numpy as jnp
import numpy as np

NBITS = 16
HIDDEN_SIZE = 128
B = 32
T = 8192

def setup_inputs(seed: int = 0) -> dict:
    key = jax.random.key(seed)
    k1, k2, k3 = jax.random.split(key, 3)
    hidden = jax.random.normal(k1, (B, HIDDEN_SIZE, T), dtype=jnp.float32)
    msg = jax.random.randint(k2, (B, NBITS), 0, 2, dtype=jnp.int64)
    # torch.nn.Embedding default init: N(0, 1)
    emb_table = jax.random.normal(k3, (2 * NBITS, HIDDEN_SIZE), dtype=jnp.float32)
    return {"hidden": hidden, "msg": msg, "emb_table": emb_table}

def reference(hidden, msg, emb_table):
    nbits = msg.shape[-1]
    # indices = 2*arange(nbits) repeated over batch, plus msg bits
    indices = (2 * jnp.arange(nbits, dtype=msg.dtype))[None, :] + msg  # [B, nbits]
    msg_aux = jnp.take(emb_table, indices, axis=0)  # [B, nbits, H] gather
    msg_aux = msg_aux.sum(axis=-2)  # [B, H]
    # unsqueeze(-1).repeat(1,1,T) == broadcast over time dim
    msg_aux = msg_aux[:, :, None]  # [B, H, 1]
    return hidden + msg_aux

if __name__ == "__main__":
    import jax
    _d = setup_inputs()
    print(jax.jit(kernel)(*tuple(_d.values())))

</pallas_src>

<mosaic_0001>
#map = affine_map<(d0, d1) -> (0, 0)>
module attributes {stable_mosaic.version = 14 : i64} {
  func.func @_sc_bias_body(%arg0: i32, %arg1: i32, %arg2: memref<32x16xi32, #tpu.memory_space<hbm>>, %arg3: memref<32x128xf32, #tpu.memory_space<hbm>>, %arg4: memref<32x128xf32, #tpu.memory_space<hbm>>, %arg5: memref<16xi32, #tpu.memory_space<vmem>>, %arg6: memref<16xi32, #tpu.memory_space<vmem>>, %arg7: memref<16x128xf32, #tpu.memory_space<vmem>>, %arg8: memref<128xf32, #tpu.memory_space<vmem>>, %arg9: memref<!tpu.dma_semaphore, #tpu.memory_space<semaphore_mem>>) attributes {dimension_semantics = [#tpu.dimension_semantics<core_parallel>, #tpu.dimension_semantics<subcore_parallel>], iteration_bounds = array<i64: 2, 16>, scalar_prefetch = 0 : i64, scratch_operands = 5 : i64, tpu.core_type = #tpu.core_type<sc_vector_subcore>, window_params = [{transform_indices = #map}, {transform_indices = #map}, {transform_indices = #map}]} {
    %mul3A = arith.constant 2 : i32
    %mul3A_0 = arith.muli %arg1, %mul3A : i32
    %add3A = arith.addi %mul3A_0, %arg0 : i32
    "tpu.region"() ({
      %run_scoped3A = tpu.sem_alloc : memref<!tpu.dma_semaphore, #tpu.memory_space<semaphore_mem>>
      %dma_start3A_806 = arith.constant 0 : i32
      %dma_start3A_807 = tpu.memref_slice %arg2[%add3A, %dma_start3A_806] : memref<32x16xi32, #tpu.memory_space<hbm>> -> memref<1x16xi32, #tpu.memory_space<hbm>>
      %dma_start3A_808 = tpu.memref_squeeze %dma_start3A_807 : memref<1x16xi32, #tpu.memory_space<hbm>> -> memref<16xi32, #tpu.memory_space<hbm>>
      %dma_start3A_809 = arith.constant 0 : i32
      %dma_start3A_810 = tpu.memref_slice %arg2[%add3A, %dma_start3A_809] : memref<32x16xi32, #tpu.memory_space<hbm>> -> memref<1x16xi32, #tpu.memory_space<hbm>>
      %dma_start3A_811 = tpu.memref_squeeze %dma_start3A_810 : memref<1x16xi32, #tpu.memory_space<hbm>> -> memref<16xi32, #tpu.memory_space<hbm>>
      tpu.enqueue_dma source(%dma_start3A_811 : memref<16xi32, #tpu.memory_space<hbm>>) target(%arg5 : memref<16xi32, #tpu.memory_space<vmem>>) target_semaphore(%run_scoped3A : memref<!tpu.dma_semaphore, #tpu.memory_space<semaphore_mem>>)
      %dma_wait3A_812 = arith.constant 0 : i32
      %dma_wait3A_813 = tpu.memref_slice %arg2[%add3A, %dma_wait3A_812] : memref<32x16xi32, #tpu.memory_space<hbm>> -> memref<1x16xi32, #tpu.memory_space<hbm>>
      %dma_wait3A_814 = tpu.memref_squeeze %dma_wait3A_813 : memref<1x16xi32, #tpu.memory_space<hbm>> -> memref<16xi32, #tpu.memory_space<hbm>>
      %dma_wait3A_815 = arith.constant 0 : i32
      %dma_wait3A_816 = tpu.memref_slice %arg2[%add3A, %dma_wait3A_815] : memref<32x16xi32, #tpu.memory_space<hbm>> -> memref<1x16xi32, #tpu.memory_space<hbm>>
      %dma_wait3A_817 = tpu.memref_squeeze %dma_wait3A_816 : memref<1x16xi32, #tpu.memory_space<hbm>> -> memref<16xi32, #tpu.memory_space<hbm>>
      tpu.wait_dma2 semaphore(%run_scoped3A : memref<!tpu.dma_semaphore, #tpu.memory_space<semaphore_mem>>) src(%dma_wait3A_817 : memref<16xi32, #tpu.memory_space<hbm>>) dst(%arg5 : memref<16xi32, #tpu.memory_space<vmem>>)
      tpu.yield
    }) : () -> ()
    %iota3A = tpu.iota {dimensions = array<i32: 0>} : vector<16xi32>
    %mul3A_1 = arith.constant 2 : i32
    %mul3A_2 = vector.broadcast %mul3A_1 : i32 to vector<16xi32>
    %mul3A_3 = arith.muli %mul3A_2, %iota3A : vector<16xi32>
    %get3A = arith.constant 0 : index
    %get3A_4 = tpu.vector_load %arg5[%get3A] {strides = array<i32>} : memref<16xi32, #tpu.memory_space<vmem>>, vector<16xi32>,
    %get3A_5 = vector.shape_cast %get3A_4 : vector<16xi32> to vector<16xi32>
    %add3A_6 = arith.addi %mul3A_3, %get3A_5 : vector<16xi32>
    %swap3A = arith.constant 0 : index
    %swap3A_7 = tpu.vector_load %arg6[%swap3A] {strides = array<i32>} : memref<16xi32, #tpu.memory_space<vmem>>, vector<16xi32>,
    %swap3A_8 = vector.shape_cast %swap3A_7 : vector<16xi32> to vector<16xi32>
    %swap3A_9 = vector.shape_cast %add3A_6 : vector<16xi32> to vector<16xi32>
    tpu.vector_store %arg6[%swap3A], %swap3A_9 {strides = array<i32>} : memref<16xi32, #tpu.memory_space<vmem>>, vector<16xi32>,
    %dma_start3A = arith.constant 0 : i32
    %dma_start3A_10 = arith.constant 0 : i32
    %dma_start3A_11 = tpu.memref_slice %arg3[%dma_start3A, %dma_start3A_10] : memref<32x128xf32, #tpu.memory_space<hbm>> -> memref<32x128xf32, #tpu.memory_space<hbm>>
    tpu.enqueue_indirect_dma source(%dma_start3A_11 : memref<32x128xf32, #tpu.memory_space<hbm>>) target(%arg7 : memref<16x128xf32, #tpu.memory_space<vmem>>) offsets(%arg6 : memref<16xi32, #tpu.memory_space<vmem>>) semaphore(%arg9 : memref<!tpu.dma_semaphore, #tpu.memory_space<semaphore_mem>>)
    %dma_wait3A = arith.constant 0 : i32
    %dma_wait3A_12 = arith.constant 0 : i32
    %dma_wait3A_13 = tpu.memref_slice %arg3[%dma_wait3A, %dma_wait3A_12] : memref<32x128xf32, #tpu.memory_space<hbm>> -> memref<32x128xf32, #tpu.memory_space<hbm>>
    tpu.wait_indirect_dma semaphore(%arg9 : memref<!tpu.dma_semaphore, #tpu.memory_space<semaphore_mem>>) src(%dma_wait3A_13 : memref<32x128xf32, #tpu.memory_space<hbm>>) dst(%arg7 : memref<16x128xf32, #tpu.memory_space<vmem>>)
    %get3A_14 = arith.constant 0 : i32
    %get3A_15 = arith.index_cast %get3A_14 : i32 to index
    %get3A_16 = arith.constant 0 : index
    %get3A_17 = tpu.vector_load %arg7[%get3A_15, %get3A_16] {strides = array<i32>} : memref<16x128xf32, #tpu.memory_space<vmem>>, vector<1x16xf32>,
    %get3A_18 = vector.shape_cast %get3A_17 : vector<1x16xf32> to vector<16xf32>
    %get3A_19 = arith.constant 1 : i32
    %get3A_20 = arith.index_cast %get3A_19 : i32 to index
    %get3A_21 = arith.constant 0 : index
    %get3A_22 = tpu.vector_load %arg7[%get3A_20, %get3A_21] {strides = array<i32>} : memref<16x128xf32, #tpu.memory_space<vmem>>, vector<1x16xf32>,
    %get3A_23 = vector.shape_cast %get3A_22 : vector<1x16xf32> to vector<16xf32>
    %add3A_24 = arith.addf %get3A_18, %get3A_23 : vector<16xf32>
    %get3A_25 = arith.constant 2 : i32
    %get3A_26 = arith.index_cast %get3A_25 : i32 to index
    %get3A_27 = arith.constant 0 : index
    %get3A_28 = tpu.vector_load %arg7[%get3A_26, %get3A_27] {strides = array<i32>} : memref<16x128xf32, #tpu.memory_space<vmem>>, vector<1x16xf32>,
    %get3A_29 = vector.shape_cast %get3A_28 : vector<1x16xf32> to vector<16xf32>
    %add3A_30 = arith.addf %add3A_24, %get3A_29 : vector<16xf32>
    %get3A_31 = arith.constant 3 : i32
    %get3A_32 = arith.index_cast %get3A_31 : i32 to index
    %get3A_33 = arith.constant 0 : index
    %get3A_34 = tpu.vector_load %arg7[%get3A_32, %get3A_33] {strides = array<i32>} : memref<16x128xf32, #tpu.memory_space<vmem>>, vector<1x16xf32>,
    %get3A_35 = vector.shape_cast %get3A_34 : vector<1x16xf32> to vector<16xf32>
    %add3A_36 = arith.addf %add3A_30, %get3A_35 : vector<16xf32>
    %get3A_37 = arith.constant 4 : i32
    %get3A_38 = arith.index_cast %get3A_37 : i32 to index
    %get3A_39 = arith.constant 0 : index
    %get3A_40 = tpu.vector_load %arg7[%get3A_38, %get3A_39] {strides = array<i32>} : memref<16x128xf32, #tpu.memory_space<vmem>>, vector<1x16xf32>,
    %get3A_41 = vector.shape_cast %get3A_40 : vector<1x16xf32> to vector<16xf32>
    %add3A_42 = arith.addf %add3A_36, %get3A_41 : vector<16xf32>
    %get3A_43 = arith.constant 5 : i32
    %get3A_44 = arith.index_cast %get3A_43 : i32 to index
    %get3A_45 = arith.constant 0 : index
    %get3A_46 = tpu.vector_load %arg7[%get3A_44, %get3A_45] {strides = array<i32>} : memref<16x128xf32, #tpu.memory_space<vmem>>, vector<1x16xf32>,
    %get3A_47 = vector.shape_cast %get3A_46 : vector<1x16xf32> to vector<16xf32>
    %add3A_48 = arith.addf %add3A_42, %get3A_47 : vector<16xf32>
    %get3A_49 = arith.constant 6 : i32
    %get3A_50 = arith.index_cast %get3A_49 : i32 to index
    %get3A_51 = arith.constant 0 : index
    %get3A_52 = tpu.vector_load %arg7[%get3A_50, %get3A_51] {strides = array<i32>} : memref<16x128xf32, #tpu.memory_space<vmem>>, vector<1x16xf32>,
    %get3A_53 = vector.shape_cast %get3A_52 : vector<1x16xf32> to vector<16xf32>
    %add3A_54 = arith.addf %add3A_48, %get3A_53 : vector<16xf32>
    %get3A_55 = arith.constant 7 : i32
    %get3A_56 = arith.index_cast %get3A_55 : i32 to index
    %get3A_57 = arith.constant 0 : index
    %get3A_58 = tpu.vector_load %arg7[%get3A_56, %get3A_57] {strides = array<i32>} : memref<16x128xf32, #tpu.memory_space<vmem>>, vector<1x16xf32>,
    %get3A_59 = vector.shape_cast %get3A_58 : vector<1x16xf32> to vector<16xf32>
    %add3A_60 = arith.addf %add3A_54, %get3A_59 : vector<16xf32>
    %get3A_61 = arith.constant 8 : i32
    %get3A_62 = arith.index_cast %get3A_61 : i32 to index
    %get3A_63 = arith.constant 0 : index
    %get3A_64 = tpu.vector_load %arg7[%get3A_62, %get3A_63] {strides = array<i32>} : memref<16x128xf32, #tpu.memory_space<vmem>>, vector<1x16xf32>,
    %get3A_65 = vector.shape_cast %get3A_64 : vector<1x16xf32> to vector<16xf32>
    %add3A_66 = arith.addf %add3A_60, %get3A_65 : vector<16xf32>
    %get3A_67 = arith.constant 9 : i32
    %get3A_68 = arith.index_cast %get3A_67 : i32 to index
    %get3A_69 = arith.constant 0 : index
    %get3A_70 = tpu.vector_load %arg7[%get3A_68, %get3A_69] {strides = array<i32>} : memref<16x128xf32, #tpu.memory_space<vmem>>, vector<1x16xf32>,
    %get3A_71 = vector.shape_cast %get3A_70 : vector<1x16xf32> to vector<16xf32>
    %add3A_72 = arith.addf %add3A_66, %get3A_71 : vector<16xf32>
    %get3A_73 = arith.constant 10 : i32
    %get3A_74 = arith.index_cast %get3A_73 : i32 to index
    %get3A_75 = arith.constant 0 : index
    %get3A_76 = tpu.vector_load %arg7[%get3A_74, %get3A_75] {strides = array<i32>} : memref<16x128xf32, #tpu.memory_space<vmem>>, vector<1x16xf32>,
    %get3A_77 = vector.shape_cast %get3A_76 : vector<1x16xf32> to vector<16xf32>
    %add3A_78 = arith.addf %add3A_72, %get3A_77 : vector<16xf32>
    %get3A_79 = arith.constant 11 : i32
    %get3A_80 = arith.index_cast %get3A_79 : i32 to index
    %get3A_81 = arith.constant 0 : index
    %get3A_82 = tpu.vector_load %arg7[%get3A_80, %get3A_81] {strides = array<i32>} : memref<16x128xf32, #tpu.memory_space<vmem>>, vector<1x16xf32>,
    %get3A_83 = vector.shape_cast %get3A_82 : vector<1x16xf32> to vector<16xf32>
    %add3A_84 = arith.addf %add3A_78, %get3A_83 : vector<16xf32>
    %get3A_85 = arith.constant 12 : i32
    %get3A_86 = arith.index_cast %get3A_85 : i32 to index
    %get3A_87 = arith.constant 0 : index
    %get3A_88 = tpu.vector_load %arg7[%get3A_86, %get3A_87] {strides = array<i32>} : memref<16x128xf32, #tpu.memory_space<vmem>>, vector<1x16xf32>,
    %get3A_89 = vector.shape_cast %get3A_88 : vector<1x16xf32> to vector<16xf32>
    %add3A_90 = arith.addf %add3A_84, %get3A_89 : vector<16xf32>
    %get3A_91 = arith.constant 13 : i32
    %get3A_92 = arith.index_cast %get3A_91 : i32 to index
    %get3A_93 = arith.constant 0 : index
    %get3A_94 = tpu.vector_load %arg7[%get3A_92, %get3A_93] {strides = array<i32>} : memref<16x128xf32, #tpu.memory_space<vmem>>, vector<1x16xf32>,
    %get3A_95 = vector.shape_cast %get3A_94 : vector<1x16xf32> to vector<16xf32>
    %add3A_96 = arith.addf %add3A_90, %get3A_95 : vector<16xf32>
    %get3A_97 = arith.constant 14 : i32
    %get3A_98 = arith.index_cast %get3A_97 : i32 to index
    %get3A_99 = arith.constant 0 : index
    %get3A_100 = tpu.vector_load %arg7[%get3A_98, %get3A_99] {strides = array<i32>} : memref<16x128xf32, #tpu.memory_space<vmem>>, vector<1x16xf32>,
    %get3A_101 = vector.shape_cast %get3A_100 : vector<1x16xf32> to vector<16xf32>
    %add3A_102 = arith.addf %add3A_96, %get3A_101 : vector<16xf32>
    %get3A_103 = arith.constant 15 : i32
    %get3A_104 = arith.index_cast %get3A_103 : i32 to index
    %get3A_105 = arith.constant 0 : index
    %get3A_106 = tpu.vector_load %arg7[%get3A_104, %get3A_105] {strides = array<i32>} : memref<16x128xf32, #tpu.memory_space<vmem>>, vector<1x16xf32>,
    %get3A_107 = vector.shape_cast %get3A_106 : vector<1x16xf32> to vector<16xf32>
    %add3A_108 = arith.addf %add3A_102, %get3A_107 : vector<16xf32>
    %swap3A_109 = arith.constant 0 : index
    %swap3A_110 = tpu.vector_load %arg8[%swap3A_109] {strides = array<i32>} : memref<128xf32, #tpu.memory_space<vmem>>, vector<16xf32>,
    %swap3A_111 = vector.shape_cast %swap3A_110 : vector<16xf32> to vector<16xf32>
    %swap3A_112 = vector.shape_cast %add3A_108 : vector<16xf32> to vector<16xf32>
    tpu.vector_store %arg8[%swap3A_109], %swap3A_112 {strides = array<i32>} : memref<128xf32, #tpu.memory_space<vmem>>, vector<16xf32>,
    %get3A_113 = arith.constant 0 : i32
    %get3A_114 = arith.index_cast %get3A_113 : i32 to index
    %get3A_115 = arith.constant 16 : index
    %get3A_116 = tpu.vector_load %arg7[%get3A_114, %get3A_115] {strides = array<i32>} : memref<16x128xf32, #tpu.memory_space<vmem>>, vector<1x16xf32>,
    %get3A_117 = vector.shape_cast %get3A_116 : vector<1x16xf32> to vector<16xf32>
    %get3A_118 = arith.constant 1 : i32
    %get3A_119 = arith.index_cast %get3A_118 : i32 to index
    %get3A_120 = arith.constant 16 : index
    %get3A_121 = tpu.vector_load %arg7[%get3A_119, %get3A_120] {strides = array<i32>} : memref<16x128xf32, #tpu.memory_space<vmem>>, vector<1x16xf32>,
    %get3A_122 = vector.shape_cast %get3A_121 : vector<1x16xf32> to vector<16xf32>
    %add3A_123 = arith.addf %get3A_117, %get3A_122 : vector<16xf32>
    %get3A_124 = arith.constant 2 : i32
    %get3A_125 = arith.index_cast %get3A_124 : i32 to index
    %get3A_126 = arith.constant 16 : index
    %get3A_127 = tpu.vector_load %arg7[%get3A_125, %get3A_126] {strides = array<i32>} : memref<16x128xf32, #tpu.memory_space<vmem>>, vector<1x16xf32>,
    %get3A_128 = vector.shape_cast %get3A_127 : vector<1x16xf32> to vector<16xf32>
    %add3A_129 = arith.addf %add3A_123, %get3A_128 : vector<16xf32>
    %get3A_130 = arith.constant 3 : i32
    %get3A_131 = arith.index_cast %get3A_130 : i32 to index
    %get3A_132 = arith.constant 16 : index
    %get3A_133 = tpu.vector_load %arg7[%get3A_131, %get3A_132] {strides = array<i32>} : memref<16x128xf32, #tpu.memory_space<vmem>>, vector<1x16xf32>,
    %get3A_134 = vector.shape_cast %get3A_133 : vector<1x16xf32> to vector<16xf32>
    %add3A_135 = arith.addf %add3A_129, %get3A_134 : vector<16xf32>
    %get3A_136 = arith.constant 4 : i32
    %get3A_137 = arith.index_cast %get3A_136 : i32 to index
    %get3A_138 = arith.constant 16 : index
    %get3A_139 = tpu.vector_load %arg7[%get3A_137, %get3A_138] {strides = array<i32>} : memref<16x128xf32, #tpu.memory_space<vmem>>, vector<1x16xf32>,
    %get3A_140 = vector.shape_cast %get3A_139 : vector<1x16xf32> to vector<16xf32>
    %add3A_141 = arith.addf %add3A_135, %get3A_140 : vector<16xf32>
    %get3A_142 = arith.constant 5 : i32
    %get3A_143 = arith.index_cast %get3A_142 : i32 to index
    %get3A_144 = arith.constant 16 : index
    %get3A_145 = tpu.vector_load %arg7[%get3A_143, %get3A_144] {strides = array<i32>} : memref<16x128xf32, #tpu.memory_space<vmem>>, vector<1x16xf32>,
    %get3A_146 = vector.shape_cast %get3A_145 : vector<1x16xf32> to vector<16xf32>
    %add3A_147 = arith.addf %add3A_141, %get3A_146 : vector<16xf32>
    %get3A_148 = arith.constant 6 : i32
    %get3A_149 = arith.index_cast %get3A_148 : i32 to index
    %get3A_150 = arith.constant 16 : index
    %get3A_151 = tpu.vector_load %arg7[%get3A_149, %get3A_150] {strides = array<i32>} : memref<16x128xf32, #tpu.memory_space<vmem>>, vector<1x16xf32>,
    %get3A_152 = vector.shape_cast %get3A_151 : vector<1x16xf32> to vector<16xf32>
    %add3A_153 = arith.addf %add3A_147, %get3A_152 : vector<16xf32>
    %get3A_154 = arith.constant 7 : i32
    %get3A_155 = arith.index_cast %get3A_154 : i32 to index
    %get3A_156 = arith.constant 16 : index
    %get3A_157 = tpu.vector_load %arg7[%get3A_155, %get3A_156] {strides = array<i32>} : memref<16x128xf32, #tpu.memory_space<vmem>>, vector<1x16xf32>,
    %get3A_158 = vector.shape_cast %get3A_157 : vector<1x16xf32> to vector<16xf32>
    %add3A_159 = arith.addf %add3A_153, %get3A_158 : vector<16xf32>
    %get3A_160 = arith.constant 8 : i32
    %get3A_161 = arith.index_cast %get3A_160 : i32 to index
    %get3A_162 = arith.constant 16 : index
    %get3A_163 = tpu.vector_load %arg7[%get3A_161, %get3A_162] {strides = array<i32>} : memref<16x128xf32, #tpu.memory_space<vmem>>, vector<1x16xf32>,
    %get3A_164 = vector.shape_cast %get3A_163 : vector<1x16xf32> to vector<16xf32>
    %add3A_165 = arith.addf %add3A_159, %get3A_164 : vector<16xf32>
    %get3A_166 = arith.constant 9 : i32
    %get3A_167 = arith.index_cast %get3A_166 : i32 to index
    %get3A_168 = arith.constant 16 : index
    %get3A_169 = tpu.vector_load %arg7[%get3A_167, %get3A_168] {strides = array<i32>} : memref<16x128xf32, #tpu.memory_space<vmem>>, vector<1x16xf32>,
    %get3A_170 = vector.shape_cast %get3A_169 : vector<1x16xf32> to vector<16xf32>
    %add3A_171 = arith.addf %add3A_165, %get3A_170 : vector<16xf32>
    %get3A_172 = arith.constant 10 : i32
    %get3A_173 = arith.index_cast %get3A_172 : i32 to index
    %get3A_174 = arith.constant 16 : index
    %get3A_175 = tpu.vector_load %arg7[%get3A_173, %get3A_174] {strides = array<i32>} : memref<16x128xf32, #tpu.memory_space<vmem>>, vector<1x16xf32>,
    %get3A_176 = vector.shape_cast %get3A_175 : vector<1x16xf32> to vector<16xf32>
    %add3A_177 = arith.addf %add3A_171, %get3A_176 : vector<16xf32>
    %get3A_178 = arith.constant 11 : i32
    %get3A_179 = arith.index_cast %get3A_178 : i32 to index
    %get3A_180 = arith.constant 16 : index
    %get3A_181 = tpu.vector_load %arg7[%get3A_179, %get3A_180] {strides = array<i32>} : memref<16x128xf32, #tpu.memory_space<vmem>>, vector<1x16xf32>,
    %get3A_182 = vector.shape_cast %get3A_181 : vector<1x16xf32> to vector<16xf32>
    %add3A_183 = arith.addf %add3A_177, %get3A_182 : vector<16xf32>
    %get3A_184 = arith.constant 12 : i32
    %get3A_185 = arith.index_cast %get3A_184 : i32 to index
    %get3A_186 = arith.constant 16 : index
    %get3A_187 = tpu.vector_load %arg7[%get3A_185, %get3A_186] {strides = array<i32>} : memref<16x128xf32, #tpu.memory_space<vmem>>, vector<1x16xf32>,
    %get3A_188 = vector.shape_cast %get3A_187 : vector<1x16xf32> to vector<16xf32>
    %add3A_189 = arith.addf %add3A_183, %get3A_188 : vector<16xf32>
    %get3A_190 = arith.constant 13 : i32
    %get3A_191 = arith.index_cast %get3A_190 : i32 to index
    %get3A_192 = arith.constant 16 : index
    %get3A_193 = tpu.vector_load %arg7[%get3A_191, %get3A_192] {strides = array<i32>} : memref<16x128xf32, #tpu.memory_space<vmem>>, vector<1x16xf32>,
    %get3A_194 = vector.shape_cast %get3A_193 : vector<1x16xf32> to vector<16xf32>
    %add3A_195 = arith.addf %add3A_189, %get3A_194 : vector<16xf32>
    %get3A_196 = arith.constant 14 : i32
    %get3A_197 = arith.index_cast %get3A_196 : i32 to index
    %get3A_198 = arith.constant 16 : index
    %get3A_199 = tpu.vector_load %arg7[%get3A_197, %get3A_198] {strides = array<i32>} : memref<16x128xf32, #tpu.memory_space<vmem>>, vector<1x16xf32>,
    %get3A_200 = vector.shape_cast %get3A_199 : vector<1x16xf32> to vector<16xf32>
    %add3A_201 = arith.addf %add3A_195, %get3A_200 : vector<16xf32>
    %get3A_202 = arith.constant 15 : i32
    %get3A_203 = arith.index_cast %get3A_202 : i32 to index
    %get3A_204 = arith.constant 16 : index
    %get3A_205 = tpu.vector_load %arg7[%get3A_203, %get3A_204] {strides = array<i32>} : memref<16x128xf32, #tpu.memory_space<vmem>>, vector<1x16xf32>,
    %get3A_206 = vector.shape_cast %get3A_205 : vector<1x16xf32> to vector<16xf32>
    %add3A_207 = arith.addf %add3A_201, %get3A_206 : vector<16xf32>
    %swap3A_208 = arith.constant 16 : index
    %swap3A_209 = tpu.vector_load %arg8[%swap3A_208] {strides = array<i32>} : memref<128xf32, #tpu.memory_space<vmem>>, vector<16xf32>,
    %swap3A_210 = vector.shape_cast %swap3A_209 : vector<16xf32> to vector<16xf32>
    %swap3A_211 = vector.shape_cast %add3A_207 : vector<16xf32> to vector<16xf32>
    tpu.vector_store %arg8[%swap3A_208], %swap3A_211 {strides = array<i32>} : memref<128xf32, #tpu.memory_space<vmem>>, vector<16xf32>,
    %get3A_212 = arith.constant 0 : i32
    %get3A_213 = arith.index_cast %get3A_212 : i32 to index
    %get3A_214 = arith.constant 32 : index
    %get3A_215 = tpu.vector_load %arg7[%get3A_213, %get3A_214] {strides = array<i32>} : memref<16x128xf32, #tpu.memory_space<vmem>>, vector<1x16xf32>,
    %get3A_216 = vector.shape_cast %get3A_215 : vector<1x16xf32> to vector<16xf32>
    %get3A_217 = arith.constant 1 : i32
    %get3A_218 = arith.index_cast %get3A_217 : i32 to index
    %get3A_219 = arith.constant 32 : index
    %get3A_220 = tpu.vector_load %arg7[%get3A_218, %get3A_219] {strides = array<i32>} : memref<16x128xf32, #tpu.memory_space<vmem>>, vector<1x16xf32>,
    %get3A_221 = vector.shape_cast %get3A_220 : vector<1x16xf32> to vector<16xf32>
    %add3A_222 = arith.addf %get3A_216, %get3A_221 : vector<16xf32>
    %get3A_223 = arith.constant 2 : i32
    %get3A_224 = arith.index_cast %get3A_223 : i32 to index
    %get3A_225 = arith.constant 32 : index
    %get3A_226 = tpu.vector_load %arg7[%get3A_224, %get3A_225] {strides = array<i32>} : memref<16x128xf32, #tpu.memory_space<vmem>>, vector<1x16xf32>,
    %get3A_227 = vector.shape_cast %get3A_226 : vector<1x16xf32> to vector<16xf32>
    %add3A_228 = arith.addf %add3A_222, %get3A_227 : vector<16xf32>
    %get3A_229 = arith.constant 3 : i32
    %get3A_230 = arith.index_cast %get3A_229 : i32 to index
    %get3A_231 = arith.constant 32 : index
    %get3A_232 = tpu.vector_load %arg7[%get3A_230, %get3A_231] {strides = array<i32>} : memref<16x128xf32, #tpu.memory_space<vmem>>, vector<1x16xf32>,
    %get3A_233 = vector.shape_cast %get3A_232 : vector<1x16xf32> to vector<16xf32>
    %add3A_234 = arith.addf %add3A_228, %get3A_233 : vector<16xf32>
    %get3A_235 = arith.constant 4 : i32
    %get3A_236 = arith.index_cast %get3A_235 : i32 to index
    %get3A_237 = arith.constant 32 : index
    %get3A_238 = tpu.vector_load %arg7[%get3A_236, %get3A_237] {strides = array<i32>} : memref<16x128xf32, #tpu.memory_space<vmem>>, vector<1x16xf32>,
    %get3A_239 = vector.shape_cast %get3A_238 : vector<1x16xf32> to vector<16xf32>
    %add3A_240 = arith.addf %add3A_234, %get3A_239 : vector<16xf32>
    %get3A_241 = arith.constant 5 : i32
    %get3A_242 = arith.index_cast %get3A_241 : i32 to index
    %get3A_243 = arith.constant 32 : index
    %get3A_244 = tpu.vector_load %arg7[%get3A_242, %get3A_243] {strides = array<i32>} : memref<16x128xf32, #tpu.memory_space<vmem>>, vector<1x16xf32>,
    %get3A_245 = vector.shape_cast %get3A_244 : vector<1x16xf32> to vector<16xf32>
    %add3A_246 = arith.addf %add3A_240, %get3A_245 : vector<16xf32>
    %get3A_247 = arith.constant 6 : i32
    %get3A_248 = arith.index_cast %get3A_247 : i32 to index
    %get3A_249 = arith.constant 32 : index
    %get3A_250 = tpu.vector_load %arg7[%get3A_248, %get3A_249] {strides = array<i32>} : memref<16x128xf32, #tpu.memory_space<vmem>>, vector<1x16xf32>,
    %get3A_251 = vector.shape_cast %get3A_250 : vector<1x16xf32> to vector<16xf32>
    %add3A_252 = arith.addf %add3A_246, %get3A_251 : vector<16xf32>
    %get3A_253 = arith.constant 7 : i32
    %get3A_254 = arith.index_cast %get3A_253 : i32 to index
    %get3A_255 = arith.constant 32 : index
    %get3A_256 = tpu.vector_load %arg7[%get3A_254, %get3A_255] {strides = array<i32>} : memref<16x128xf32, #tpu.memory_space<vmem>>, vector<1x16xf32>,
    %get3A_257 = vector.shape_cast %get3A_256 : vector<1x16xf32> to vector<16xf32>
    %add3A_258 = arith.addf %add3A_252, %get3A_257 : vector<16xf32>
    %get3A_259 = arith.constant 8 : i32
    %get3A_260 = arith.index_cast %get3A_259 : i32 to index
    %get3A_261 = arith.constant 32 : index
    %get3A_262 = tpu.vector_load %arg7[%get3A_260, %get3A_261] {strides = array<i32>} : memref<16x128xf32, #tpu.memory_space<vmem>>, vector<1x16xf32>,
    %get3A_263 = vector.shape_cast %get3A_262 : vector<1x16xf32> to vector<16xf32>
    %add3A_264 = arith.addf %add3A_258, %get3A_263 : vector<16xf32>
    %get3A_265 = arith.constant 9 : i32
    %get3A_266 = arith.index_cast %get3A_265 : i32 to index
    %get3A_267 = arith.constant 32 : index
    %get3A_268 = tpu.vector_load %arg7[%get3A_266, %get3A_267] {strides = array<i32>} : memref<16x128xf32, #tpu.memory_space<vmem>>, vector<1x16xf32>,
    %get3A_269 = vector.shape_cast %get3A_268 : vector<1x16xf32> to vector<16xf32>
    %add3A_270 = arith.addf %add3A_264, %get3A_269 : vector<16xf32>
    %get3A_271 = arith.constant 10 : i32
    %get3A_272 = arith.index_cast %get3A_271 : i32 to index
    %get3A_273 = arith.constant 32 : index
    %get3A_274 = tpu.vector_load %arg7[%get3A_272, %get3A_273] {strides = array<i32>} : memref<16x128xf32, #tpu.memory_space<vmem>>, vector<1x16xf32>,
    %get3A_275 = vector.shape_cast %get3A_274 : vector<1x16xf32> to vector<16xf32>
    %add3A_276 = arith.addf %add3A_270, %get3A_275 : vector<16xf32>
    %get3A_277 = arith.constant 11 : i32
    %get3A_278 = arith.index_cast %get3A_277 : i32 to index
    %get3A_279 = arith.constant 32 : index
    %get3A_280 = tpu.vector_load %arg7[%get3A_278, %get3A_279] {strides = array<i32>} : memref<16x128xf32, #tpu.memory_space<vmem>>, vector<1x16xf32>,
    %get3A_281 = vector.shape_cast %get3A_280 : vector<1x16xf32> to vector<16xf32>
    %add3A_282 = arith.addf %add3A_276, %get3A_281 : vector<16xf32>
    %get3A_283 = arith.constant 12 : i32
    %get3A_284 = arith.index_cast %get3A_283 : i32 to index
    %get3A_285 = arith.constant 32 : index
    %get3A_286 = tpu.vector_load %arg7[%get3A_284, %get3A_285] {strides = array<i32>} : memref<16x128xf32, #tpu.memory_space<vmem>>, vector<1x16xf32>,
    %get3A_287 = vector.shape_cast %get3A_286 : vector<1x16xf32> to vector<16xf32>
    %add3A_288 = arith.addf %add3A_282, %get3A_287 : vector<16xf32>
    %get3A_289 = arith.constant 13 : i32
    %get3A_290 = arith.index_cast %get3A_289 : i32 to index
    %get3A_291 = arith.constant 32 : index
    %get3A_292 = tpu.vector_load %arg7[%get3A_290, %get3A_291] {strides = array<i32>} : memref<16x128xf32, #tpu.memory_space<vmem>>, vector<1x16xf32>,
    %get3A_293 = vector.shape_cast %get3A_292 : vector<1x16xf32> to vector<16xf32>
    %add3A_294 = arith.addf %add3A_288, %get3A_293 : vector<16xf32>
    %get3A_295 = arith.constant 14 : i32
    %get3A_296 = arith.index_cast %get3A_295 : i32 to index
    %get3A_297 = arith.constant 32 : index
    %get3A_298 = tpu.vector_load %arg7[%get3A_296, %get3A_297] {strides = array<i32>} : memref<16x128xf32, #tpu.memory_space<vmem>>, vector<1x16xf32>,
    %get3A_299 = vector.shape_cast %get3A_298 : vector<1x16xf32> to vector<16xf32>
    %add3A_300 = arith.addf %add3A_294, %get3A_299 : vector<16xf32>
    %get3A_301 = arith.constant 15 : i32
    %get3A_302 = arith.index_cast %get3A_301 : i32 to index
    %get3A_303 = arith.constant 32 : index
    %get3A_304 = tpu.vector_load %arg7[%get3A_302, %get3A_303] {strides = array<i32>} : memref<16x128xf32, #tpu.memory_space<vmem>>, vector<1x16xf32>,
    %get3A_305 = vector.shape_cast %get3A_304 : vector<1x16xf32> to vector<16xf32>
    %add3A_306 = arith.addf %add3A_300, %get3A_305 : vector<16xf32>
    %swap3A_307 = arith.constant 32 : index
    %swap3A_308 = tpu.vector_load %arg8[%swap3A_307] {strides = array<i32>} : memref<128xf32, #tpu.memory_space<vmem>>, vector<16xf32>,
    %swap3A_309 = vector.shape_cast %swap3A_308 : vector<16xf32> to vector<16xf32>
    %swap3A_310 = vector.shape_cast %add3A_306 : vector<16xf32> to vector<16xf32>
    tpu.vector_store %arg8[%swap3A_307], %swap3A_310 {strides = array<i32>} : memref<128xf32, #tpu.memory_space<vmem>>, vector<16xf32>,
    %get3A_311 = arith.constant 0 : i32
    %get3A_312 = arith.index_cast %get3A_311 : i32 to index
    %get3A_313 = arith.constant 48 : index
    %get3A_314 = tpu.vector_load %arg7[%get3A_312, %get3A_313] {strides = array<i32>} : memref<16x128xf32, #tpu.memory_space<vmem>>, vector<1x16xf32>,
    %get3A_315 = vector.shape_cast %get3A_314 : vector<1x16xf32> to vector<16xf32>
    %get3A_316 = arith.constant 1 : i32
    %get3A_317 = arith.index_cast %get3A_316 : i32 to index
    %get3A_318 = arith.constant 48 : index
    %get3A_319 = tpu.vector_load %arg7[%get3A_317, %get3A_318] {strides = array<i32>} : memref<16x128xf32, #tpu.memory_space<vmem>>, vector<1x16xf32>,
    %get3A_320 = vector.shape_cast %get3A_319 : vector<1x16xf32> to vector<16xf32>
    %add3A_321 = arith.addf %get3A_315, %get3A_320 : vector<16xf32>
    %get3A_322 = arith.constant 2 : i32
    %get3A_323 = arith.index_cast %get3A_322 : i32 to index
    %get3A_324 = arith.constant 48 : index
    %get3A_325 = tpu.vector_load %arg7[%get3A_323, %get3A_324] {strides = array<i32>} : memref<16x128xf32, #tpu.memory_space<vmem>>, vector<1x16xf32>,
    %get3A_326 = vector.shape_cast %get3A_325 : vector<1x16xf32> to vector<16xf32>
    %add3A_327 = arith.addf %add3A_321, %get3A_326 : vector<16xf32>
    %get3A_328 = arith.constant 3 : i32
    %get3A_329 = arith.index_cast %get3A_328 : i32 to index
    %get3A_330 = arith.constant 48 : index
    %get3A_331 = tpu.vector_load %arg7[%get3A_329, %get3A_330] {strides = array<i32>} : memref<16x128xf32, #tpu.memory_space<vmem>>, vector<1x16xf32>,
    %get3A_332 = vector.shape_cast %get3A_331 : vector<1x16xf32> to vector<16xf32>
    %add3A_333 = arith.addf %add3A_327, %get3A_332 : vector<16xf32>
    %get3A_334 = arith.constant 4 : i32
    %get3A_335 = arith.index_cast %get3A_334 : i32 to index
    %get3A_336 = arith.constant 48 : index
    %get3A_337 = tpu.vector_load %arg7[%get3A_335, %get3A_336] {strides = array<i32>} : memref<16x128xf32, #tpu.memory_space<vmem>>, vector<1x16xf32>,
    %get3A_338 = vector.shape_cast %get3A_337 : vector<1x16xf32> to vector<16xf32>
    %add3A_339 = arith.addf %add3A_333, %get3A_338 : vector<16xf32>
    %get3A_340 = arith.constant 5 : i32
    %get3A_341 = arith.index_cast %get3A_340 : i32 to index
    %get3A_342 = arith.constant 48 : index
    %get3A_343 = tpu.vector_load %arg7[%get3A_341, %get3A_342] {strides = array<i32>} : memref<16x128xf32, #tpu.memory_space<vmem>>, vector<1x16xf32>,
    %get3A_344 = vector.shape_cast %get3A_343 : vector<1x16xf32> to vector<16xf32>
    %add3A_345 = arith.addf %add3A_339, %get3A_344 : vector<16xf32>
    %get3A_346 = arith.constant 6 : i32
    %get3A_347 = arith.index_cast %get3A_346 : i32 to index
    %get3A_348 = arith.constant 48 : index
    %get3A_349 = tpu.vector_load %arg7[%get3A_347, %get3A_348] {strides = array<i32>} : memref<16x128xf32, #tpu.memory_space<vmem>>, vector<1x16xf32>,
    %get3A_350 = vector.shape_cast %get3A_349 : vector<1x16xf32> to vector<16xf32>
    %add3A_351 = arith.addf %add3A_345, %get3A_350 : vector<16xf32>
    %get3A_352 = arith.constant 7 : i32
    %get3A_353 = arith.index_cast %get3A_352 : i32 to index
    %get3A_354 = arith.constant 48 : index
    %get3A_355 = tpu.vector_load %arg7[%get3A_353, %get3A_354] {strides = array<i32>} : memref<16x128xf32, #tpu.memory_space<vmem>>, vector<1x16xf32>,
    %get3A_356 = vector.shape_cast %get3A_355 : vector<1x16xf32> to vector<16xf32>
    %add3A_357 = arith.addf %add3A_351, %get3A_356 : vector<16xf32>
    %get3A_358 = arith.constant 8 : i32
    %get3A_359 = arith.index_cast %get3A_358 : i32 to index
    %get3A_360 = arith.constant 48 : index
    %get3A_361 = tpu.vector_load %arg7[%get3A_359, %get3A_360] {strides = array<i32>} : memref<16x128xf32, #tpu.memory_space<vmem>>, vector<1x16xf32>,
    %get3A_362 = vector.shape_cast %get3A_361 : vector<1x16xf32> to vector<16xf32>
    %add3A_363 = arith.addf %add3A_357, %get3A_362 : vector<16xf32>
    %get3A_364 = arith.constant 9 : i32
    %get3A_365 = arith.index_cast %get3A_364 : i32 to index
    %get3A_366 = arith.constant 48 : index
    %get3A_367 = tpu.vector_load %arg7[%get3A_365, %get3A_366] {strides = array<i32>} : memref<16x128xf32, #tpu.memory_space<vmem>>, vector<1x16xf32>,
    %get3A_368 = vector.shape_cast %get3A_367 : vector<1x16xf32> to vector<16xf32>
    %add3A_369 = arith.addf %add3A_363, %get3A_368 : vector<16xf32>
    %get3A_370 = arith.constant 10 : i32
    %get3A_371 = arith.index_cast %get3A_370 : i32 to index
    %get3A_372 = arith.constant 48 : index
    %get3A_373 = tpu.vector_load %arg7[%get3A_371, %get3A_372] {strides = array<i32>} : memref<16x128xf32, #tpu.memory_space<vmem>>, vector<1x16xf32>,
    %get3A_374 = vector.shape_cast %get3A_373 : vector<1x16xf32> to vector<16xf32>
    %add3A_375 = arith.addf %add3A_369, %get3A_374 : vector<16xf32>
    %get3A_376 = arith.constant 11 : i32
    %get3A_377 = arith.index_cast %get3A_376 : i32 to index
    %get3A_378 = arith.constant 48 : index
    %get3A_379 = tpu.vector_load %arg7[%get3A_377, %get3A_378] {strides = array<i32>} : memref<16x128xf32, #tpu.memory_space<vmem>>, vector<1x16xf32>,
    %get3A_380 = vector.shape_cast %get3A_379 : vector<1x16xf32> to vector<16xf32>
    %add3A_381 = arith.addf %add3A_375, %get3A_380 : vector<16xf32>
    %get3A_382 = arith.constant 12 : i32
    %get3A_383 = arith.index_cast %get3A_382 : i32 to index
    %get3A_384 = arith.constant 48 : index
    %get3A_385 = tpu.vector_load %arg7[%get3A_383, %get3A_384] {strides = array<i32>} : memref<16x128xf32, #tpu.memory_space<vmem>>, vector<1x16xf32>,
    %get3A_386 = vector.shape_cast %get3A_385 : vector<1x16xf32> to vector<16xf32>
    %add3A_387 = arith.addf %add3A_381, %get3A_386 : vector<16xf32>
    %get3A_388 = arith.constant 13 : i32
    %get3A_389 = arith.index_cast %get3A_388 : i32 to index
    %get3A_390 = arith.constant 48 : index
    %get3A_391 = tpu.vector_load %arg7[%get3A_389, %get3A_390] {strides = array<i32>} : memref<16x128xf32, #tpu.memory_space<vmem>>, vector<1x16xf32>,
    %get3A_392 = vector.shape_cast %get3A_391 : vector<1x16xf32> to vector<16xf32>
    %add3A_393 = arith.addf %add3A_387, %get3A_392 : vector<16xf32>
    %get3A_394 = arith.constant 14 : i32
    %get3A_395 = arith.index_cast %get3A_394 : i32 to index
    %get3A_396 = arith.constant 48 : index
    %get3A_397 = tpu.vector_load %arg7[%get3A_395, %get3A_396] {strides = array<i32>} : memref<16x128xf32, #tpu.memory_space<vmem>>, vector<1x16xf32>,
    %get3A_398 = vector.shape_cast %get3A_397 : vector<1x16xf32> to vector<16xf32>
    %add3A_399 = arith.addf %add3A_393, %get3A_398 : vector<16xf32>
    %get3A_400 = arith.constant 15 : i32
    %get3A_401 = arith.index_cast %get3A_400 : i32 to index
    %get3A_402 = arith.constant 48 : index
    %get3A_403 = tpu.vector_load %arg7[%get3A_401, %get3A_402] {strides = array<i32>} : memref<16x128xf32, #tpu.memory_space<vmem>>, vector<1x16xf32>,
    %get3A_404 = vector.shape_cast %get3A_403 : vector<1x16xf32> to vector<16xf32>
    %add3A_405 = arith.addf %add3A_399, %get3A_404 : vector<16xf32>
    %swap3A_406 = arith.constant 48 : index
    %swap3A_407 = tpu.vector_load %arg8[%swap3A_406] {strides = array<i32>} : memref<128xf32, #tpu.memory_space<vmem>>, vector<16xf32>,
    %swap3A_408 = vector.shape_cast %swap3A_407 : vector<16xf32> to vector<16xf32>
    %swap3A_409 = vector.shape_cast %add3A_405 : vector<16xf32> to vector<16xf32>
    tpu.vector_store %arg8[%swap3A_406], %swap3A_409 {strides = array<i32>} : memref<128xf32, #tpu.memory_space<vmem>>, vector<16xf32>,
    %get3A_410 = arith.constant 0 : i32
    %get3A_411 = arith.index_cast %get3A_410 : i32 to index
    %get3A_412 = arith.constant 64 : index
    %get3A_413 = tpu.vector_load %arg7[%get3A_411, %get3A_412] {strides = array<i32>} : memref<16x128xf32, #tpu.memory_space<vmem>>, vector<1x16xf32>,
    %get3A_414 = vector.shape_cast %get3A_413 : vector<1x16xf32> to vector<16xf32>
    %get3A_415 = arith.constant 1 : i32
    %get3A_416 = arith.index_cast %get3A_415 : i32 to index
    %get3A_417 = arith.constant 64 : index
    %get3A_418 = tpu.vector_load %arg7[%get3A_416, %get3A_417] {strides = array<i32>} : memref<16x128xf32, #tpu.memory_space<vmem>>, vector<1x16xf32>,
    %get3A_419 = vector.shape_cast %get3A_418 : vector<1x16xf32> to vector<16xf32>
    %add3A_420 = arith.addf %get3A_414, %get3A_419 : vector<16xf32>
    %get3A_421 = arith.constant 2 : i32
    %get3A_422 = arith.index_cast %get3A_421 : i32 to index
    %get3A_423 = arith.constant 64 : index
    %get3A_424 = tpu.vector_load %arg7[%get3A_422, %get3A_423] {strides = array<i32>} : memref<16x128xf32, #tpu.memory_space<vmem>>, vector<1x16xf32>,
    %get3A_425 = vector.shape_cast %get3A_424 : vector<1x16xf32> to vector<16xf32>
    %add3A_426 = arith.addf %add3A_420, %get3A_425 : vector<16xf32>
    %get3A_427 = arith.constant 3 : i32
    %get3A_428 = arith.index_cast %get3A_427 : i32 to index
    %get3A_429 = arith.constant 64 : index
    %get3A_430 = tpu.vector_load %arg7[%get3A_428, %get3A_429] {strides = array<i32>} : memref<16x128xf32, #tpu.memory_space<vmem>>, vector<1x16xf32>,
    %get3A_431 = vector.shape_cast %get3A_430 : vector<1x16xf32> to vector<16xf32>
    %add3A_432 = arith.addf %add3A_426, %get3A_431 : vector<16xf32>
    %get3A_433 = arith.constant 4 : i32
    %get3A_434 = arith.index_cast %get3A_433 : i32 to index
    %get3A_435 = arith.constant 64 : index
    %get3A_436 = tpu.vector_load %arg7[%get3A_434, %get3A_435] {strides = array<i32>} : memref<16x128xf32, #tpu.memory_space<vmem>>, vector<1x16xf32>,
    %get3A_437 = vector.shape_cast %get3A_436 : vector<1x16xf32> to vector<16xf32>
    %add3A_438 = arith.addf %add3A_432, %get3A_437 : vector<16xf32>
    %get3A_439 = arith.constant 5 : i32
    %get3A_440 = arith.index_cast %get3A_439 : i32 to index
    %get3A_441 = arith.constant 64 : index
    %get3A_442 = tpu.vector_load %arg7[%get3A_440, %get3A_441] {strides = array<i32>} : memref<16x128xf32, #tpu.memory_space<vmem>>, vector<1x16xf32>,
    %get3A_443 = vector.shape_cast %get3A_442 : vector<1x16xf32> to vector<16xf32>
    %add3A_444 = arith.addf %add3A_438, %get3A_443 : vector<16xf32>
    %get3A_445 = arith.constant 6 : i32
    %get3A_446 = arith.index_cast %get3A_445 : i32 to index
    %get3A_447 = arith.constant 64 : index
    %get3A_448 = tpu.vector_load %arg7[%get3A_446, %get3A_447] {strides = array<i32>} : memref<16x128xf32, #tpu.memory_space<vmem>>, vector<1x16xf32>,
    %get3A_449 = vector.shape_cast %get3A_448 : vector<1x16xf32> to vector<16xf32>
    %add3A_450 = arith.addf %add3A_444, %get3A_449 : vector<16xf32>
    %get3A_451 = arith.constant 7 : i32
    %get3A_452 = arith.index_cast %get3A_451 : i32 to index
    %get3A_453 = arith.constant 64 : index
    %get3A_454 = tpu.vector_load %arg7[%get3A_452, %get3A_453] {strides = array<i32>} : memref<16x128xf32, #tpu.memory_space<vmem>>, vector<1x16xf32>,
    %get3A_455 = vector.shape_cast %get3A_454 : vector<1x16xf32> to vector<16xf32>
    %add3A_456 = arith.addf %add3A_450, %get3A_455 : vector<16xf32>
    %get3A_457 = arith.constant 8 : i32
    %get3A_458 = arith.index_cast %get3A_457 : i32 to index
    %get3A_459 = arith.constant 64 : index
    %get3A_460 = tpu.vector_load %arg7[%get3A_458, %get3A_459] {strides = array<i32>} : memref<16x128xf32, #tpu.memory_space<vmem>>, vector<1x16xf32>,
    %get3A_461 = vector.shape_cast %get3A_460 : vector<1x16xf32> to vector<16xf32>
    %add3A_462 = arith.addf %add3A_456, %get3A_461 : vector<16xf32>
    %get3A_463 = arith.constant 9 : i32
    %get3A_464 = arith.index_cast %get3A_463 : i32 to index
    %get3A_465 = arith.constant 64 : index
    %get3A_466 = tpu.vector_load %arg7[%get3A_464, %get3A_465] {strides = array<i32>} : memref<16x128xf32, #tpu.memory_space<vmem>>, vector<1x16xf32>,
    %get3A_467 = vector.shape_cast %get3A_466 : vector<1x16xf32> to vector<16xf32>
    %add3A_468 = arith.addf %add3A_462, %get3A_467 : vector<16xf32>
    %get3A_469 = arith.constant 10 : i32
    %get3A_470 = arith.index_cast %get3A_469 : i32 to index
    %get3A_471 = arith.constant 64 : index
    %get3A_472 = tpu.vector_load %arg7[%get3A_470, %get3A_471] {strides = array<i32>} : memref<16x128xf32, #tpu.memory_space<vmem>>, vector<1x16xf32>,
    %get3A_473 = vector.shape_cast %get3A_472 : vector<1x16xf32> to vector<16xf32>
    %add3A_474 = arith.addf %add3A_468, %get3A_473 : vector<16xf32>
    %get3A_475 = arith.constant 11 : i32
    %get3A_476 = arith.index_cast %get3A_475 : i32 to index
    %get3A_477 = arith.constant 64 : index
    %get3A_478 = tpu.vector_load %arg7[%get3A_476, %get3A_477] {strides = array<i32>} : memref<16x128xf32, #tpu.memory_space<vmem>>, vector<1x16xf32>,
    %get3A_479 = vector.shape_cast %get3A_478 : vector<1x16xf32> to vector<16xf32>
    %add3A_480 = arith.addf %add3A_474, %get3A_479 : vector<16xf32>
    %get3A_481 = arith.constant 12 : i32
    %get3A_482 = arith.index_cast %get3A_481 : i32 to index
    %get3A_483 = arith.constant 64 : index
    %get3A_484 = tpu.vector_load %arg7[%get3A_482, %get3A_483] {strides = array<i32>} : memref<16x128xf32, #tpu.memory_space<vmem>>, vector<1x16xf32>,
    %get3A_485 = vector.shape_cast %get3A_484 : vector<1x16xf32> to vector<16xf32>
    %add3A_486 = arith.addf %add3A_480, %get3A_485 : vector<16xf32>
    %get3A_487 = arith.constant 13 : i32
    %get3A_488 = arith.index_cast %get3A_487 : i32 to index
    %get3A_489 = arith.constant 64 : index
    %get3A_490 = tpu.vector_load %arg7[%get3A_488, %get3A_489] {strides = array<i32>} : memref<16x128xf32, #tpu.memory_space<vmem>>, vector<1x16xf32>,
    %get3A_491 = vector.shape_cast %get3A_490 : vector<1x16xf32> to vector<16xf32>
    %add3A_492 = arith.addf %add3A_486, %get3A_491 : vector<16xf32>
    %get3A_493 = arith.constant 14 : i32
    %get3A_494 = arith.index_cast %get3A_493 : i32 to index
    %get3A_495 = arith.constant 64 : index
    %get3A_496 = tpu.vector_load %arg7[%get3A_494, %get3A_495] {strides = array<i32>} : memref<16x128xf32, #tpu.memory_space<vmem>>, vector<1x16xf32>,
    %get3A_497 = vector.shape_cast %get3A_496 : vector<1x16xf32> to vector<16xf32>
    %add3A_498 = arith.addf %add3A_492, %get3A_497 : vector<16xf32>
    %get3A_499 = arith.constant 15 : i32
    %get3A_500 = arith.index_cast %get3A_499 : i32 to index
    %get3A_501 = arith.constant 64 : index
    %get3A_502 = tpu.vector_load %arg7[%get3A_500, %get3A_501] {strides = array<i32>} : memref<16x128xf32, #tpu.memory_space<vmem>>, vector<1x16xf32>,
    %get3A_503 = vector.shape_cast %get3A_502 : vector<1x16xf32> to vector<16xf32>
    %add3A_504 = arith.addf %add3A_498, %get3A_503 : vector<16xf32>
    %swap3A_505 = arith.constant 64 : index
    %swap3A_506 = tpu.vector_load %arg8[%swap3A_505] {strides = array<i32>} : memref<128xf32, #tpu.memory_space<vmem>>, vector<16xf32>,
    %swap3A_507 = vector.shape_cast %swap3A_506 : vector<16xf32> to vector<16xf32>
    %swap3A_508 = vector.shape_cast %add3A_504 : vector<16xf32> to vector<16xf32>
    tpu.vector_store %arg8[%swap3A_505], %swap3A_508 {strides = array<i32>} : memref<128xf32, #tpu.memory_space<vmem>>, vector<16xf32>,
    %get3A_509 = arith.constant 0 : i32
    %get3A_510 = arith.index_cast %get3A_509 : i32 to index
    %get3A_511 = arith.constant 80 : index
    %get3A_512 = tpu.vector_load %arg7[%get3A_510, %get3A_511] {strides = array<i32>} : memref<16x128xf32, #tpu.memory_space<vmem>>, vector<1x16xf32>,
    %get3A_513 = vector.shape_cast %get3A_512 : vector<1x16xf32> to vector<16xf32>
    %get3A_514 = arith.constant 1 : i32
    %get3A_515 = arith.index_cast %get3A_514 : i32 to index
    %get3A_516 = arith.constant 80 : index
    %get3A_517 = tpu.vector_load %arg7[%get3A_515, %get3A_516] {strides = array<i32>} : memref<16x128xf32, #tpu.memory_space<vmem>>, vector<1x16xf32>,
    %get3A_518 = vector.shape_cast %get3A_517 : vector<1x16xf32> to vector<16xf32>
    %add3A_519 = arith.addf %get3A_513, %get3A_518 : vector<16xf32>
    %get3A_520 = arith.constant 2 : i32
    %get3A_521 = arith.index_cast %get3A_520 : i32 to index
    %get3A_522 = arith.constant 80 : index
    %get3A_523 = tpu.vector_load %arg7[%get3A_521, %get3A_522] {strides = array<i32>} : memref<16x128xf32, #tpu.memory_space<vmem>>, vector<1x16xf32>,
    %get3A_524 = vector.shape_cast %get3A_523 : vector<1x16xf32> to vector<16xf32>
    %add3A_525 = arith.addf %add3A_519, %get3A_524 : vector<16xf32>
    %get3A_526 = arith.constant 3 : i32
    %get3A_527 = arith.index_cast %get3A_526 : i32 to index
    %get3A_528 = arith.constant 80 : index
    %get3A_529 = tpu.vector_load %arg7[%get3A_527, %get3A_528] {strides = array<i32>} : memref<16x128xf32, #tpu.memory_space<vmem>>, vector<1x16xf32>,
    %get3A_530 = vector.shape_cast %get3A_529 : vector<1x16xf32> to vector<16xf32>
    %add3A_531 = arith.addf %add3A_525, %get3A_530 : vector<16xf32>
    %get3A_532 = arith.constant 4 : i32
    %get3A_533 = arith.index_cast %get3A_532 : i32 to index
    %get3A_534 = arith.constant 80 : index
    %get3A_535 = tpu.vector_load %arg7[%get3A_533, %get3A_534] {strides = array<i32>} : memref<16x128xf32, #tpu.memory_space<vmem>>, vector<1x16xf32>,
    %get3A_536 = vector.shape_cast %get3A_535 : vector<1x16xf32> to vector<16xf32>
    %add3A_537 = arith.addf %add3A_531, %get3A_536 : vector<16xf32>
    %get3A_538 = arith.constant 5 : i32
    %get3A_539 = arith.index_cast %get3A_538 : i32 to index
    %get3A_540 = arith.constant 80 : index
    %get3A_541 = tpu.vector_load %arg7[%get3A_539, %get3A_540] {strides = array<i32>} : memref<16x128xf32, #tpu.memory_space<vmem>>, vector<1x16xf32>,
    %get3A_542 = vector.shape_cast %get3A_541 : vector<1x16xf32> to vector<16xf32>
    %add3A_543 = arith.addf %add3A_537, %get3A_542 : vector<16xf32>
    %get3A_544 = arith.constant 6 : i32
    %get3A_545 = arith.index_cast %get3A_544 : i32 to index
    %get3A_546 = arith.constant 80 : index
    %get3A_547 = tpu.vector_load %arg7[%get3A_545, %get3A_546] {strides = array<i32>} : memref<16x128xf32, #tpu.memory_space<vmem>>, vector<1x16xf32>,
    %get3A_548 = vector.shape_cast %get3A_547 : vector<1x16xf32> to vector<16xf32>
    %add3A_549 = arith.addf %add3A_543, %get3A_548 : vector<16xf32>
    %get3A_550 = arith.constant 7 : i32
    %get3A_551 = arith.index_cast %get3A_550 : i32 to index
    %get3A_552 = arith.constant 80 : index
    %get3A_553 = tpu.vector_load %arg7[%get3A_551, %get3A_552] {strides = array<i32>} : memref<16x128xf32, #tpu.memory_space<vmem>>, vector<1x16xf32>,
    %get3A_554 = vector.shape_cast %get3A_553 : vector<1x16xf32> to vector<16xf32>
    %add3A_555 = arith.addf %add3A_549, %get3A_554 : vector<16xf32>
    %get3A_556 = arith.constant 8 : i32
    %get3A_557 = arith.index_cast %get3A_556 : i32 to index
    %get3A_558 = arith.constant 80 : index
    %get3A_559 = tpu.vector_load %arg7[%get3A_557, %get3A_558] {strides = array<i32>} : memref<16x128xf32, #tpu.memory_space<vmem>>, vector<1x16xf32>,
    %get3A_560 = vector.shape_cast %get3A_559 : vector<1x16xf32> to vector<16xf32>
    %add3A_561 = arith.addf %add3A_555, %get3A_560 : vector<16xf32>
    %get3A_562 = arith.constant 9 : i32
    %get3A_563 = arith.index_cast %get3A_562 : i32 to index
    %get3A_564 = arith.constant 80 : index
    %get3A_565 = tpu.vector_load %arg7[%get3A_563, %get3A_564] {strides = array<i32>} : memref<16x128xf32, #tpu.memory_space<vmem>>, vector<1x16xf32>,
    %get3A_566 = vector.shape_cast %get3A_565 : vector<1x16xf32> to vector<16xf32>
    %add3A_567 = arith.addf %add3A_561, %get3A_566 : vector<16xf32>
    %get3A_568 = arith.constant 10 : i32
    %get3A_569 = arith.index_cast %get3A_568 : i32 to index
    %get3A_570 = arith.constant 80 : index
    %get3A_571 = tpu.vector_load %arg7[%get3A_569, %get3A_570] {strides = array<i32>} : memref<16x128xf32, #tpu.memory_space<vmem>>, vector<1x16xf32>,
    %get3A_572 = vector.shape_cast %get3A_571 : vector<1x16xf32> to vector<16xf32>
    %add3A_573 = arith.addf %add3A_567, %get3A_572 : vector<16xf32>
    %get3A_574 = arith.constant 11 : i32
    %get3A_575 = arith.index_cast %get3A_574 : i32 to index
    %get3A_576 = arith.constant 80 : index
    %get3A_577 = tpu.vector_load %arg7[%get3A_575, %get3A_576] {strides = array<i32>} : memref<16x128xf32, #tpu.memory_space<vmem>>, vector<1x16xf32>,
    %get3A_578 = vector.shape_cast %get3A_577 : vector<1x16xf32> to vector<16xf32>
    %add3A_579 = arith.addf %add3A_573, %get3A_578 : vector<16xf32>
    %get3A_580 = arith.constant 12 : i32
    %get3A_581 = arith.index_cast %get3A_580 : i32 to index
    %get3A_582 = arith.constant 80 : index
    %get3A_583 = tpu.vector_load %arg7[%get3A_581, %get3A_582] {strides = array<i32>} : memref<16x128xf32, #tpu.memory_space<vmem>>, vector<1x16xf32>,
    %get3A_584 = vector.shape_cast %get3A_583 : vector<1x16xf32> to vector<16xf32>
    %add3A_585 = arith.addf %add3A_579, %get3A_584 : vector<16xf32>
    %get3A_586 = arith.constant 13 : i32
    %get3A_587 = arith.index_cast %get3A_586 : i32 to index
    %get3A_588 = arith.constant 80 : index
    %get3A_589 = tpu.vector_load %arg7[%get3A_587, %get3A_588] {strides = array<i32>} : memref<16x128xf32, #tpu.memory_space<vmem>>, vector<1x16xf32>,
    %get3A_590 = vector.shape_cast %get3A_589 : vector<1x16xf32> to vector<16xf32>
    %add3A_591 = arith.addf %add3A_585, %get3A_590 : vector<16xf32>
    %get3A_592 = arith.constant 14 : i32
    %get3A_593 = arith.index_cast %get3A_592 : i32 to index
    %get3A_594 = arith.constant 80 : index
    %get3A_595 = tpu.vector_load %arg7[%get3A_593, %get3A_594] {strides = array<i32>} : memref<16x128xf32, #tpu.memory_space<vmem>>, vector<1x16xf32>,
    %get3A_596 = vector.shape_cast %get3A_595 : vector<1x16xf32> to vector<16xf32>
    %add3A_597 = arith.addf %add3A_591, %get3A_596 : vector<16xf32>
    %get3A_598 = arith.constant 15 : i32
    %get3A_599 = arith.index_cast %get3A_598 : i32 to index
    %get3A_600 = arith.constant 80 : index
    %get3A_601 = tpu.vector_load %arg7[%get3A_599, %get3A_600] {strides = array<i32>} : memref<16x128xf32, #tpu.memory_space<vmem>>, vector<1x16xf32>,
    %get3A_602 = vector.shape_cast %get3A_601 : vector<1x16xf32> to vector<16xf32>
    %add3A_603 = arith.addf %add3A_597, %get3A_602 : vector<16xf32>
    %swap3A_604 = arith.constant 80 : index
    %swap3A_605 = tpu.vector_load %arg8[%swap3A_604] {strides = array<i32>} : memref<128xf32, #tpu.memory_space<vmem>>, vector<16xf32>,
    %swap3A_606 = vector.shape_cast %swap3A_605 : vector<16xf32> to vector<16xf32>
    %swap3A_607 = vector.shape_cast %add3A_603 : vector<16xf32> to vector<16xf32>
    tpu.vector_store %arg8[%swap3A_604], %swap3A_607 {strides = array<i32>} : memref<128xf32, #tpu.memory_space<vmem>>, vector<16xf32>,
    %get3A_608 = arith.constant 0 : i32
    %get3A_609 = arith.index_cast %get3A_608 : i32 to index
    %get3A_610 = arith.constant 96 : index
    %get3A_611 = tpu.vector_load %arg7[%get3A_609, %get3A_610] {strides = array<i32>} : memref<16x128xf32, #tpu.memory_space<vmem>>, vector<1x16xf32>,
    %get3A_612 = vector.shape_cast %get3A_611 : vector<1x16xf32> to vector<16xf32>
    %get3A_613 = arith.constant 1 : i32
    %get3A_614 = arith.index_cast %get3A_613 : i32 to index
    %get3A_615 = arith.constant 96 : index
    %get3A_616 = tpu.vector_load %arg7[%get3A_614, %get3A_615] {strides = array<i32>} : memref<16x128xf32, #tpu.memory_space<vmem>>, vector<1x16xf32>,
    %get3A_617 = vector.shape_cast %get3A_616 : vector<1x16xf32> to vector<16xf32>
    %add3A_618 = arith.addf %get3A_612, %get3A_617 : vector<16xf32>
    %get3A_619 = arith.constant 2 : i32
    %get3A_620 = arith.index_cast %get3A_619 : i32 to index
    %get3A_621 = arith.constant 96 : index
    %get3A_622 = tpu.vector_load %arg7[%get3A_620, %get3A_621] {strides = array<i32>} : memref<16x128xf32, #tpu.memory_space<vmem>>, vector<1x16xf32>,
    %get3A_623 = vector.shape_cast %get3A_622 : vector<1x16xf32> to vector<16xf32>
    %add3A_624 = arith.addf %add3A_618, %get3A_623 : vector<16xf32>
    %get3A_625 = arith.constant 3 : i32
    %get3A_626 = arith.index_cast %get3A_625 : i32 to index
    %get3A_627 = arith.constant 96 : index
    %get3A_628 = tpu.vector_load %arg7[%get3A_626, %get3A_627] {strides = array<i32>} : memref<16x128xf32, #tpu.memory_space<vmem>>, vector<1x16xf32>,
    %get3A_629 = vector.shape_cast %get3A_628 : vector<1x16xf32> to vector<16xf32>
    %add3A_630 = arith.addf %add3A_624, %get3A_629 : vector<16xf32>
    %get3A_631 = arith.constant 4 : i32
    %get3A_632 = arith.index_cast %get3A_631 : i32 to index
    %get3A_633 = arith.constant 96 : index
    %get3A_634 = tpu.vector_load %arg7[%get3A_632, %get3A_633] {strides = array<i32>} : memref<16x128xf32, #tpu.memory_space<vmem>>, vector<1x16xf32>,
    %get3A_635 = vector.shape_cast %get3A_634 : vector<1x16xf32> to vector<16xf32>
    %add3A_636 = arith.addf %add3A_630, %get3A_635 : vector<16xf32>
    %get3A_637 = arith.constant 5 : i32
    %get3A_638 = arith.index_cast %get3A_637 : i32 to index
    %get3A_639 = arith.constant 96 : index
    %get3A_640 = tpu.vector_load %arg7[%get3A_638, %get3A_639] {strides = array<i32>} : memref<16x128xf32, #tpu.memory_space<vmem>>, vector<1x16xf32>,
    %get3A_641 = vector.shape_cast %get3A_640 : vector<1x16xf32> to vector<16xf32>
    %add3A_642 = arith.addf %add3A_636, %get3A_641 : vector<16xf32>
    %get3A_643 = arith.constant 6 : i32
    %get3A_644 = arith.index_cast %get3A_643 : i32 to index
    %get3A_645 = arith.constant 96 : index
    %get3A_646 = tpu.vector_load %arg7[%get3A_644, %get3A_645] {strides = array<i32>} : memref<16x128xf32, #tpu.memory_space<vmem>>, vector<1x16xf32>,
    %get3A_647 = vector.shape_cast %get3A_646 : vector<1x16xf32> to vector<16xf32>
    %add3A_648 = arith.addf %add3A_642, %get3A_647 : vector<16xf32>
    %get3A_649 = arith.constant 7 : i32
    %get3A_650 = arith.index_cast %get3A_649 : i32 to index
    %get3A_651 = arith.constant 96 : index
    %get3A_652 = tpu.vector_load %arg7[%get3A_650, %get3A_651] {strides = array<i32>} : memref<16x128xf32, #tpu.memory_space<vmem>>, vector<1x16xf32>,
    %get3A_653 = vector.shape_cast %get3A_652 : vector<1x16xf32> to vector<16xf32>
    %add3A_654 = arith.addf %add3A_648, %get3A_653 : vector<16xf32>
    %get3A_655 = arith.constant 8 : i32
    %get3A_656 = arith.index_cast %get3A_655 : i32 to index
    %get3A_657 = arith.constant 96 : index
    %get3A_658 = tpu.vector_load %arg7[%get3A_656, %get3A_657] {strides = array<i32>} : memref<16x128xf32, #tpu.memory_space<vmem>>, vector<1x16xf32>,
    %get3A_659 = vector.shape_cast %get3A_658 : vector<1x16xf32> to vector<16xf32>
    %add3A_660 = arith.addf %add3A_654, %get3A_659 : vector<16xf32>
    %get3A_661 = arith.constant 9 : i32
    %get3A_662 = arith.index_cast %get3A_661 : i32 to index
    %get3A_663 = arith.constant 96 : index
    %get3A_664 = tpu.vector_load %arg7[%get3A_662, %get3A_663] {strides = array<i32>} : memref<16x128xf32, #tpu.memory_space<vmem>>, vector<1x16xf32>,
    %get3A_665 = vector.shape_cast %get3A_664 : vector<1x16xf32> to vector<16xf32>
    %add3A_666 = arith.addf %add3A_660, %get3A_665 : vector<16xf32>
    %get3A_667 = arith.constant 10 : i32
    %get3A_668 = arith.index_cast %get3A_667 : i32 to index
    %get3A_669 = arith.constant 96 : index
    %get3A_670 = tpu.vector_load %arg7[%get3A_668, %get3A_669] {strides = array<i32>} : memref<16x128xf32, #tpu.memory_space<vmem>>, vector<1x16xf32>,
    %get3A_671 = vector.shape_cast %get3A_670 : vector<1x16xf32> to vector<16xf32>
    %add3A_672 = arith.addf %add3A_666, %get3A_671 : vector<16xf32>
    %get3A_673 = arith.constant 11 : i32
    %get3A_674 = arith.index_cast %get3A_673 : i32 to index
    %get3A_675 = arith.constant 96 : index
    %get3A_676 = tpu.vector_load %arg7[%get3A_674, %get3A_675] {strides = array<i32>} : memref<16x128xf32, #tpu.memory_space<vmem>>, vector<1x16xf32>,
    %get3A_677 = vector.shape_cast %get3A_676 : vector<1x16xf32> to vector<16xf32>
    %add3A_678 = arith.addf %add3A_672, %get3A_677 : vector<16xf32>
    %get3A_679 = arith.constant 12 : i32
    %get3A_680 = arith.index_cast %get3A_679 : i32 to index
    %get3A_681 = arith.constant 96 : index
    %get3A_682 = tpu.vector_load %arg7[%get3A_680, %get3A_681] {strides = array<i32>} : memref<16x128xf32, #tpu.memory_space<vmem>>, vector<1x16xf32>,
    %get3A_683 = vector.shape_cast %get3A_682 : vector<1x16xf32> to vector<16xf32>
    %add3A_684 = arith.addf %add3A_678, %get3A_683 : vector<16xf32>
    %get3A_685 = arith.constant 13 : i32
    %get3A_686 = arith.index_cast %get3A_685 : i32 to index
    %get3A_687 = arith.constant 96 : index
    %get3A_688 = tpu.vector_load %arg7[%get3A_686, %get3A_687] {strides = array<i32>} : memref<16x128xf32, #tpu.memory_space<vmem>>, vector<1x16xf32>,
    %get3A_689 = vector.shape_cast %get3A_688 : vector<1x16xf32> to vector<16xf32>
    %add3A_690 = arith.addf %add3A_684, %get3A_689 : vector<16xf32>
    %get3A_691 = arith.constant 14 : i32
    %get3A_692 = arith.index_cast %get3A_691 : i32 to index
    %get3A_693 = arith.constant 96 : index
    %get3A_694 = tpu.vector_load %arg7[%get3A_692, %get3A_693] {strides = array<i32>} : memref<16x128xf32, #tpu.memory_space<vmem>>, vector<1x16xf32>,
    %get3A_695 = vector.shape_cast %get3A_694 : vector<1x16xf32> to vector<16xf32>
    %add3A_696 = arith.addf %add3A_690, %get3A_695 : vector<16xf32>
    %get3A_697 = arith.constant 15 : i32
    %get3A_698 = arith.index_cast %get3A_697 : i32 to index
    %get3A_699 = arith.constant 96 : index
    %get3A_700 = tpu.vector_load %arg7[%get3A_698, %get3A_699] {strides = array<i32>} : memref<16x128xf32, #tpu.memory_space<vmem>>, vector<1x16xf32>,
    %get3A_701 = vector.shape_cast %get3A_700 : vector<1x16xf32> to vector<16xf32>
    %add3A_702 = arith.addf %add3A_696, %get3A_701 : vector<16xf32>
    %swap3A_703 = arith.constant 96 : index
    %swap3A_704 = tpu.vector_load %arg8[%swap3A_703] {strides = array<i32>} : memref<128xf32, #tpu.memory_space<vmem>>, vector<16xf32>,
    %swap3A_705 = vector.shape_cast %swap3A_704 : vector<16xf32> to vector<16xf32>
    %swap3A_706 = vector.shape_cast %add3A_702 : vector<16xf32> to vector<16xf32>
    tpu.vector_store %arg8[%swap3A_703], %swap3A_706 {strides = array<i32>} : memref<128xf32, #tpu.memory_space<vmem>>, vector<16xf32>,
    %get3A_707 = arith.constant 0 : i32
    %get3A_708 = arith.index_cast %get3A_707 : i32 to index
    %get3A_709 = arith.constant 112 : index
    %get3A_710 = tpu.vector_load %arg7[%get3A_708, %get3A_709] {strides = array<i32>} : memref<16x128xf32, #tpu.memory_space<vmem>>, vector<1x16xf32>,
    %get3A_711 = vector.shape_cast %get3A_710 : vector<1x16xf32> to vector<16xf32>
    %get3A_712 = arith.constant 1 : i32
    %get3A_713 = arith.index_cast %get3A_712 : i32 to index
    %get3A_714 = arith.constant 112 : index
    %get3A_715 = tpu.vector_load %arg7[%get3A_713, %get3A_714] {strides = array<i32>} : memref<16x128xf32, #tpu.memory_space<vmem>>, vector<1x16xf32>,
    %get3A_716 = vector.shape_cast %get3A_715 : vector<1x16xf32> to vector<16xf32>
    %add3A_717 = arith.addf %get3A_711, %get3A_716 : vector<16xf32>
    %get3A_718 = arith.constant 2 : i32
    %get3A_719 = arith.index_cast %get3A_718 : i32 to index
    %get3A_720 = arith.constant 112 : index
    %get3A_721 = tpu.vector_load %arg7[%get3A_719, %get3A_720] {strides = array<i32>} : memref<16x128xf32, #tpu.memory_space<vmem>>, vector<1x16xf32>,
    %get3A_722 = vector.shape_cast %get3A_721 : vector<1x16xf32> to vector<16xf32>
    %add3A_723 = arith.addf %add3A_717, %get3A_722 : vector<16xf32>
    %get3A_724 = arith.constant 3 : i32
    %get3A_725 = arith.index_cast %get3A_724 : i32 to index
    %get3A_726 = arith.constant 112 : index
    %get3A_727 = tpu.vector_load %arg7[%get3A_725, %get3A_726] {strides = array<i32>} : memref<16x128xf32, #tpu.memory_space<vmem>>, vector<1x16xf32>,
    %get3A_728 = vector.shape_cast %get3A_727 : vector<1x16xf32> to vector<16xf32>
    %add3A_729 = arith.addf %add3A_723, %get3A_728 : vector<16xf32>
    %get3A_730 = arith.constant 4 : i32
    %get3A_731 = arith.index_cast %get3A_730 : i32 to index
    %get3A_732 = arith.constant 112 : index
    %get3A_733 = tpu.vector_load %arg7[%get3A_731, %get3A_732] {strides = array<i32>} : memref<16x128xf32, #tpu.memory_space<vmem>>, vector<1x16xf32>,
    %get3A_734 = vector.shape_cast %get3A_733 : vector<1x16xf32> to vector<16xf32>
    %add3A_735 = arith.addf %add3A_729, %get3A_734 : vector<16xf32>
    %get3A_736 = arith.constant 5 : i32
    %get3A_737 = arith.index_cast %get3A_736 : i32 to index
    %get3A_738 = arith.constant 112 : index
    %get3A_739 = tpu.vector_load %arg7[%get3A_737, %get3A_738] {strides = array<i32>} : memref<16x128xf32, #tpu.memory_space<vmem>>, vector<1x16xf32>,
    %get3A_740 = vector.shape_cast %get3A_739 : vector<1x16xf32> to vector<16xf32>
    %add3A_741 = arith.addf %add3A_735, %get3A_740 : vector<16xf32>
    %get3A_742 = arith.constant 6 : i32
    %get3A_743 = arith.index_cast %get3A_742 : i32 to index
    %get3A_744 = arith.constant 112 : index
    %get3A_745 = tpu.vector_load %arg7[%get3A_743, %get3A_744] {strides = array<i32>} : memref<16x128xf32, #tpu.memory_space<vmem>>, vector<1x16xf32>,
    %get3A_746 = vector.shape_cast %get3A_745 : vector<1x16xf32> to vector<16xf32>
    %add3A_747 = arith.addf %add3A_741, %get3A_746 : vector<16xf32>
    %get3A_748 = arith.constant 7 : i32
    %get3A_749 = arith.index_cast %get3A_748 : i32 to index
    %get3A_750 = arith.constant 112 : index
    %get3A_751 = tpu.vector_load %arg7[%get3A_749, %get3A_750] {strides = array<i32>} : memref<16x128xf32, #tpu.memory_space<vmem>>, vector<1x16xf32>,
    %get3A_752 = vector.shape_cast %get3A_751 : vector<1x16xf32> to vector<16xf32>
    %add3A_753 = arith.addf %add3A_747, %get3A_752 : vector<16xf32>
    %get3A_754 = arith.constant 8 : i32
    %get3A_755 = arith.index_cast %get3A_754 : i32 to index
    %get3A_756 = arith.constant 112 : index
    %get3A_757 = tpu.vector_load %arg7[%get3A_755, %get3A_756] {strides = array<i32>} : memref<16x128xf32, #tpu.memory_space<vmem>>, vector<1x16xf32>,
    %get3A_758 = vector.shape_cast %get3A_757 : vector<1x16xf32> to vector<16xf32>
    %add3A_759 = arith.addf %add3A_753, %get3A_758 : vector<16xf32>
    %get3A_760 = arith.constant 9 : i32
    %get3A_761 = arith.index_cast %get3A_760 : i32 to index
    %get3A_762 = arith.constant 112 : index
    %get3A_763 = tpu.vector_load %arg7[%get3A_761, %get3A_762] {strides = array<i32>} : memref<16x128xf32, #tpu.memory_space<vmem>>, vector<1x16xf32>,
    %get3A_764 = vector.shape_cast %get3A_763 : vector<1x16xf32> to vector<16xf32>
    %add3A_765 = arith.addf %add3A_759, %get3A_764 : vector<16xf32>
    %get3A_766 = arith.constant 10 : i32
    %get3A_767 = arith.index_cast %get3A_766 : i32 to index
    %get3A_768 = arith.constant 112 : index
    %get3A_769 = tpu.vector_load %arg7[%get3A_767, %get3A_768] {strides = array<i32>} : memref<16x128xf32, #tpu.memory_space<vmem>>, vector<1x16xf32>,
    %get3A_770 = vector.shape_cast %get3A_769 : vector<1x16xf32> to vector<16xf32>
    %add3A_771 = arith.addf %add3A_765, %get3A_770 : vector<16xf32>
    %get3A_772 = arith.constant 11 : i32
    %get3A_773 = arith.index_cast %get3A_772 : i32 to index
    %get3A_774 = arith.constant 112 : index
    %get3A_775 = tpu.vector_load %arg7[%get3A_773, %get3A_774] {strides = array<i32>} : memref<16x128xf32, #tpu.memory_space<vmem>>, vector<1x16xf32>,
    %get3A_776 = vector.shape_cast %get3A_775 : vector<1x16xf32> to vector<16xf32>
    %add3A_777 = arith.addf %add3A_771, %get3A_776 : vector<16xf32>
    %get3A_778 = arith.constant 12 : i32
    %get3A_779 = arith.index_cast %get3A_778 : i32 to index
    %get3A_780 = arith.constant 112 : index
    %get3A_781 = tpu.vector_load %arg7[%get3A_779, %get3A_780] {strides = array<i32>} : memref<16x128xf32, #tpu.memory_space<vmem>>, vector<1x16xf32>,
    %get3A_782 = vector.shape_cast %get3A_781 : vector<1x16xf32> to vector<16xf32>
    %add3A_783 = arith.addf %add3A_777, %get3A_782 : vector<16xf32>
    %get3A_784 = arith.constant 13 : i32
    %get3A_785 = arith.index_cast %get3A_784 : i32 to index
    %get3A_786 = arith.constant 112 : index
    %get3A_787 = tpu.vector_load %arg7[%get3A_785, %get3A_786] {strides = array<i32>} : memref<16x128xf32, #tpu.memory_space<vmem>>, vector<1x16xf32>,
    %get3A_788 = vector.shape_cast %get3A_787 : vector<1x16xf32> to vector<16xf32>
    %add3A_789 = arith.addf %add3A_783, %get3A_788 : vector<16xf32>
    %get3A_790 = arith.constant 14 : i32
    %get3A_791 = arith.index_cast %get3A_790 : i32 to index
    %get3A_792 = arith.constant 112 : index
    %get3A_793 = tpu.vector_load %arg7[%get3A_791, %get3A_792] {strides = array<i32>} : memref<16x128xf32, #tpu.memory_space<vmem>>, vector<1x16xf32>,
    %get3A_794 = vector.shape_cast %get3A_793 : vector<1x16xf32> to vector<16xf32>
    %add3A_795 = arith.addf %add3A_789, %get3A_794 : vector<16xf32>
    %get3A_796 = arith.constant 15 : i32
    %get3A_797 = arith.index_cast %get3A_796 : i32 to index
    %get3A_798 = arith.constant 112 : index
    %get3A_799 = tpu.vector_load %arg7[%get3A_797, %get3A_798] {strides = array<i32>} : memref<16x128xf32, #tpu.memory_space<vmem>>, vector<1x16xf32>,
    %get3A_800 = vector.shape_cast %get3A_799 : vector<1x16xf32> to vector<16xf32>
    %add3A_801 = arith.addf %add3A_795, %get3A_800 : vector<16xf32>
    %swap3A_802 = arith.constant 112 : index
    %swap3A_803 = tpu.vector_load %arg8[%swap3A_802] {strides = array<i32>} : memref<128xf32, #tpu.memory_space<vmem>>, vector<16xf32>,
    %swap3A_804 = vector.shape_cast %swap3A_803 : vector<16xf32> to vector<16xf32>
    %swap3A_805 = vector.shape_cast %add3A_801 : vector<16xf32> to vector<16xf32>
    tpu.vector_store %arg8[%swap3A_802], %swap3A_805 {strides = array<i32>} : memref<128xf32, #tpu.memory_space<vmem>>, vector<16xf32>,
    "tpu.region"() ({
      %run_scoped3A = tpu.sem_alloc : memref<!tpu.dma_semaphore, #tpu.memory_space<semaphore_mem>>
      %dma_start3A_806 = arith.constant 0 : i32
      %dma_start3A_807 = tpu.memref_slice %arg4[%add3A, %dma_start3A_806] : memref<32x128xf32, #tpu.memory_space<hbm>> -> memref<1x128xf32, #tpu.memory_space<hbm>>
      %dma_start3A_808 = tpu.memref_squeeze %dma_start3A_807 : memref<1x128xf32, #tpu.memory_space<hbm>> -> memref<128xf32, #tpu.memory_space<hbm>>
      %dma_start3A_809 = arith.constant 0 : i32
      %dma_start3A_810 = tpu.memref_slice %arg4[%add3A, %dma_start3A_809] : memref<32x128xf32, #tpu.memory_space<hbm>> -> memref<1x128xf32, #tpu.memory_space<hbm>>
      %dma_start3A_811 = tpu.memref_squeeze %dma_start3A_810 : memref<1x128xf32, #tpu.memory_space<hbm>> -> memref<128xf32, #tpu.memory_space<hbm>>
      tpu.enqueue_dma source(%arg8 : memref<128xf32, #tpu.memory_space<vmem>>) target(%dma_start3A_811 : memref<128xf32, #tpu.memory_space<hbm>>) target_semaphore(%run_scoped3A : memref<!tpu.dma_semaphore, #tpu.memory_space<semaphore_mem>>)
      %dma_wait3A_812 = arith.constant 0 : i32
      %dma_wait3A_813 = tpu.memref_slice %arg4[%add3A, %dma_wait3A_812] : memref<32x128xf32, #tpu.memory_space<hbm>> -> memref<1x128xf32, #tpu.memory_space<hbm>>
      %dma_wait3A_814 = tpu.memref_squeeze %dma_wait3A_813 : memref<1x128xf32, #tpu.memory_space<hbm>> -> memref<128xf32, #tpu.memory_space<hbm>>
      %dma_wait3A_815 = arith.constant 0 : i32
      %dma_wait3A_816 = tpu.memref_slice %arg4[%add3A, %dma_wait3A_815] : memref<32x128xf32, #tpu.memory_space<hbm>> -> memref<1x128xf32, #tpu.memory_space<hbm>>
      %dma_wait3A_817 = tpu.memref_squeeze %dma_wait3A_816 : memref<1x128xf32, #tpu.memory_space<hbm>> -> memref<128xf32, #tpu.memory_space<hbm>>
      tpu.wait_dma2 semaphore(%run_scoped3A : memref<!tpu.dma_semaphore, #tpu.memory_space<semaphore_mem>>) src(%arg8 : memref<128xf32, #tpu.memory_space<vmem>>) dst(%dma_wait3A_817 : memref<128xf32, #tpu.memory_space<hbm>>)
      tpu.yield
    }) : () -> ()
    return
  }
}

module attributes {stable_mosaic.version = 14 : i64} {
  func.func @_add_body(%arg0: i32, %arg1: i32, %arg2: memref<8x128xf32, #tpu.memory_space<vmem>>, %arg3: memref<8x128x2048xf32, #tpu.memory_space<vmem>>, %arg4: memref<8x128x2048xf32, #tpu.memory_space<vmem>>) attributes {dimension_semantics = [#tpu.dimension_semantics<parallel>, #tpu.dimension_semantics<parallel>], iteration_bounds = array<i64: 4, 4>, scalar_prefetch = 0 : i64, scratch_operands = 0 : i64, tpu.core_type = #tpu.core_type<tc>, window_params = [{transform_indices = @transform_0, window_bounds = array<i64: 8, 128>}, {transform_indices = @transform_1, window_bounds = array<i64: 8, 128, 2048>}, {transform_indices = @transform_2, window_bounds = array<i64: 8, 128, 2048>}]} {
    %get3A = arith.constant 0 : index
    %get3A_0 = arith.constant 0 : index
    %get3A_1 = arith.constant 0 : index
    %get3A_2 = vector.load %arg3[%get3A, %get3A_0, %get3A_1] : memref<8x128x2048xf32, #tpu.memory_space<vmem>>, vector<8x128x2048xf32>
    %get3A_3 = arith.constant 0 : index
    %get3A_4 = arith.constant 0 : index
    %get3A_5 = vector.load %arg2[%get3A_3, %get3A_4] : memref<8x128xf32, #tpu.memory_space<vmem>>, vector<8x128xf32>
    %broadcast_in_dim3A = vector.shape_cast %get3A_5 : vector<8x128xf32> to vector<8x128x1xf32>
    %add3A = vector.broadcast %broadcast_in_dim3A : vector<8x128x1xf32> to vector<8x128x2048xf32>
    %add3A_6 = arith.addf %get3A_2, %add3A : vector<8x128x2048xf32>
    %swap3A = arith.constant 0 : index
    %swap3A_7 = arith.constant 0 : index
    %swap3A_8 = arith.constant 0 : index
    %swap3A_9 = vector.load %arg4[%swap3A, %swap3A_7, %swap3A_8] : memref<8x128x2048xf32, #tpu.memory_space<vmem>>, vector<8x128x2048xf32>
    tpu.vector_store %arg4[%swap3A, %swap3A_7, %swap3A_8], %add3A_6 {strides = array<i32>} : memref<8x128x2048xf32, #tpu.memory_space<vmem>>, vector<8x128x2048xf32>,
    return
  }
  func.func @transform_0(%arg0: i32, %arg1: i32) -> (i32, i32) {
    %c0_i32 = arith.constant 0 : i32
    %c0_i32_0 = arith.constant 0 : i32
    return %arg0, %c0_i32 : i32, i32
  }
  func.func @transform_1(%arg0: i32, %arg1: i32) -> (i32, i32, i32) {
    %c0_i32 = arith.constant 0 : i32
    %c0_i32_0 = arith.constant 0 : i32
    return %arg0, %c0_i32, %arg1 : i32, i32, i32
  }
  func.func @transform_2(%arg0: i32, %arg1: i32) -> (i32, i32, i32) {
    %c0_i32 = arith.constant 0 : i32
    %c0_i32_0 = arith.constant 0 : i32
    return %arg0, %c0_i32, %arg1 : i32, i32, i32
  }
}

</mosaic_0001>

<sc_bundles>
// kernel: kernel.4.cloned.1.call-start
scs
__scs_entry_jumppad:
0x0: {  	(pc) =	sbr.rel $0x88, $3  }
0x1: {  	(tag) =	ssettag $0x0;
	lr =	simm.s32 $0x1  }
0x2: {  	[smem:$0x3F9E] =	sst lr;
	_ =	strace $0xD0000000  }
0x3: {  	_ = 	snop  }
0x4: {  	_ = 	snop  }
0x5: {  	_ = 	snop  }
0x6: {  	_ = 	snop  }
0x7: {  	_ = 	snop  }
__scs_overlays_trampoline_lowered:
0x8: {  	[smem:$0x3FAD] =	sst s0  }
0x9: {  	[smem:$0x3FAE] =	sst s1  }
0xa: {  	[smem:$0x3FAF] =	sst s2  }
0xb: {  	[smem:$0x3FB0] =	sst s3  }
0xc: {  	[smem:$0x3FB1] =	sst s4  }
0xd: {  	[smem:$0x3FB2] =	sst s5  }
0xe: {  	[smem:$0x3FB3] =	sst s6  }
0xf: {  	[smem:$0x3FB4] =	sst s7  }
0x10: {  	[smem:$0x3FB5] =	sst s8  }
0x11: {  	[smem:$0x3FB6] =	sst s9;
	s0 =	simm.s32 @!p0 $0x0  }
0x12: {  	s1 =	sld [smem:$0x3F9C];
	s0 =	simm.s32 @p0 $0x1  }
0x13: {  	[smem:$0x3FB7] =	sst s0;
	s0 =	simm.s32 @!p1 $0x0  }
0x14: {  	s2 =	sld [smem:$0x3F9B];
	s0 =	simm.s32 @p1 $0x1  }
0x15: {  	[smem:$0x3FB8] =	sst s0;
	s0 =	simm.s32 @!p2 $0x0  }
0x16: {  	s3 =	sld [smem:$0x3FDB];
	s0 =	simm.s32 @p2 $0x1  }
0x17: {  	s4 =	simm.s32 $0x1BF5;
	[smem:$0x3FBA] =	sst s0  }
0x18: {  	s0 =	sld [smem:$0x3F9D];
	_ =	swait.ge [sflag:s4], $0x0  }
0x19: {  	s7 =	sld [smem:$0x3F9E]  }
0x1a: {  	s8 =	sadd.s32 $0xFFFFE003, lr  }
0x1b: {  	s9 =	sadd.s32 $0xFFFFFEF7, lr;
	s5 =	simm.s32 $0xFFFFFFFF;
	p2 =	slt.u32 s8, $0xFFFFF086  }
0x1c: {  	p1 =	slt.u32 s9, $0xF7A;
	s5 =	simm.s32 @!p2 $0x0  }
0x1d: {  	s5 =	simm.s32 @p1 $0x1;
	p0 =	seq.s32 s7, s2  }
0x1e: {  	s7 =	smul.u32 @!p0 $0xF7A, s2;
	p2 =	seq.s32 @!p0 s5, $0x0  }
0x1f: {  	s9 =	smul.u32 $0xF7A, s1;
	s8 =	simm.s32 @!p0 $0x1BF5;
	p2 =	por !p2, p0  }
0x20: {  	[sflag:s8] =	ssyncset.s32 @!p0 $0xFFFFF086;
	s6 =	sadd.s32 @!p0 s3, s7;
	s7 =	simm.s32 @!p0 $0x108  }
0x21: {  	s3 =	sadd.s32 s3, s9;
	s6 =	sadd.s32 @!p0 $0x88, s6;
	s7 =	simm.s32 @p2 $0x1082  }
0x22: {  	[simem:s7], [sflag:s8] =	dma.local @!p0 [hbm:s6], $0xF7A  }
0x23: {  	s9 =	sor.u32 $0xD0000000, s2;
	s6 =	simm.s32 $0x108;
	_ =	swait.ge @!p0 [sflag:s8], $0x0  }
0x24: {  	s3 =	sadd.s32 $0x88, s3;
	s6 =	simm.s32 @!p1 $0x1082;
	[sflag:s4] =	ssyncset.s32 $0xFFFFF086  }
0x25: {  	[simem:s6], [sflag:s4] =	dma.local [hbm:s3], $0xF7A  }
0x26: {  	[smem:$0x3F9E] =	sst s1;
	(tag) =	ssettag s2;
	_ =	strace s9  }
0x27: {  	s1 =	sld [smem:$0x3FAE]  }
0x28: {  	s2 =	sld [smem:$0x3FAF]  }
0x29: {  	s4 =	sld [smem:$0x3FB1]  }
0x2a: {  	p0 =	seq.s32 s5, $0x0;
	s5 =	sld [smem:$0x3FB2]  }
0x2b: {  	s6 =	sld [smem:$0x3FB3]  }
0x2c: {  	s7 =	sld [smem:$0x3FB4]  }
0x2d: {  	s3 =	simm.s32 $0x108;
	s8 =	sld [smem:$0x3FB5]  }
0x2e: {  	s3 =	simm.s32 @!p0 $0x1082;
	s9 =	sld [smem:$0x3FB6]  }
0x2f: {  	lr =	sadd.s32 s0, s3;
	s0 =	sld [smem:$0x3FAD]  }
0x30: {  	s3 =	sld [smem:$0x3FB0]  }
0x31: {  	[smem:$0x3FB9] =	sst s10  }
0x32: {  	s10 =	sld [smem:$0x3FB7];
	_ =	sdelay $0x3  }
0x33: {  	p0 =	seq.s32 s10, $0x1;
	s10 =	sld [smem:$0x3FB9];
	_ =	sdelay $0x3  }
0x34: {  	[smem:$0x3FB9] =	sst s10  }
0x35: {  	s10 =	sld [smem:$0x3FB8];
	_ =	sdelay $0x3  }
0x36: {  	p1 =	seq.s32 s10, $0x1;
	s10 =	sld [smem:$0x3FB9];
	_ =	sdelay $0x3  }
0x37: {  	[smem:$0x3FB9] =	sst s10  }
0x38: {  	s10 =	sld [smem:$0x3FBA]  }
0x39: {  	_ = 	snop;
	(pc) =	sbr.ind lr, $3  }
0x3a: {  	_ = 	snop  }
0x3b: {  	_ = 	snop  }
0x3c: {  	p2 =	seq.s32 s10, $0x1;
	s10 =	sld [smem:$0x3FB9]  }
0x3d: {  	_ =	shalt  }
0x3e: {  	_ =	shalt  }
0x3f: {  	_ =	shalt  }
0x40: {  	_ =	shalt  }
0x41: {  	_ =	shalt  }
0x42: {  	_ =	shalt  }
0x43: {  	_ =	shalt  }
0x44: {  	_ =	shalt  }
0x45: {  	_ =	shalt  }
0x46: {  	_ =	shalt  }
0x47: {  	_ =	shalt  }
0x48: {  	_ =	shalt  }
0x49: {  	_ =	shalt  }
0x4a: {  	_ =	shalt  }
0x4b: {  	_ =	shalt  }
0x4c: {  	_ =	shalt  }
0x4d: {  	_ =	shalt  }
0x4e: {  	_ =	shalt  }
0x4f: {  	_ =	shalt  }
0x50: {  	_ =	shalt  }
0x51: {  	_ =	shalt  }
0x52: {  	_ =	shalt  }
0x53: {  	_ =	shalt  }
0x54: {  	_ =	shalt  }
0x55: {  	_ =	shalt  }
0x56: {  	_ =	shalt  }
0x57: {  	_ =	shalt  }
0x58: {  	_ =	shalt  }
0x59: {  	_ =	shalt  }
0x5a: {  	_ =	shalt  }
0x5b: {  	_ =	shalt  }
0x5c: {  	_ =	shalt  }
0x5d: {  	_ =	shalt  }
0x5e: {  	_ =	shalt  }
0x5f: {  	_ =	shalt  }
0x60: {  	_ =	shalt  }
0x61: {  	_ =	shalt  }
0x62: {  	_ =	shalt  }
0x63: {  	_ =	shalt  }
0x64: {  	_ =	shalt  }
0x65: {  	_ =	shalt  }
0x66: {  	_ =	shalt  }
0x67: {  	_ =	shalt  }
0x68: {  	_ =	shalt  }
0x69: {  	_ =	shalt  }
0x6a: {  	_ =	shalt  }
0x6b: {  	_ =	shalt  }
0x6c: {  	_ =	shalt  }
0x6d: {  	_ =	shalt  }
0x6e: {  	_ =	shalt  }
0x6f: {  	_ =	shalt  }
0x70: {  	_ =	shalt  }
0x71: {  	_ =	shalt  }
0x72: {  	_ =	shalt  }
0x73: {  	_ =	shalt  }
0x74: {  	_ =	shalt  }
0x75: {  	_ =	shalt  }
0x76: {  	_ =	shalt  }
0x77: {  	_ =	shalt  }
0x78: {  	_ =	shalt  }
0x79: {  	_ =	shalt  }
0x7a: {  	_ =	shalt  }
0x7b: {  	_ =	shalt  }
0x7c: {  	_ =	shalt  }
0x7d: {  	_ =	shalt  }
0x7e: {  	_ =	shalt  }
0x7f: {  	_ =	shalt  }
0x80: {  	_ =	shalt  }
0x81: {  	_ =	shalt  }
0x82: {  	_ =	shalt  }
0x83: {  	_ =	shalt  }
0x84: {  	_ =	shalt  }
0x85: {  	_ =	shalt  }
0x86: {  	_ =	shalt  }
0x87: {  	_ =	shalt  }
.Lfunc_end0:
.L_simem_size_0:
called_computation_lowered:
.L_overlay_start_0:
0x88: {  	s2 =	sld [smem:$0x3FD9]  }
0x89: {  	s3 =	sld [smem:$0x3FFE];
	_ =	sdelay $0x1  }
0x8a: {  	s1 =	srdreg.scid  }
0x8b: {  	s0 =	sand.u32 $0x1, s1  }
0x8c: {  	s17 =	sshll.u32 s0, $0xA;
	s2 =	sadd.s32 s3, s2  }
0x8d: {  	s2 =	sadd.s32 s2, s17  }
0x8e: {  	[smem:$0x3FC5] =	sst s2  }
0x8f: {  	_ = 	snop  }
0x90: {  	s2 =	sld [smem:$0x3FC7]  }
0x91: {  	s18 =	sld [smem:$0x3FD0];
	(tm) =	ssettm $0x1  }
0x92: {  	s4 =	sld [smem:$0x3FFB];
	_ =	sdelay $0x3  }
0x93: {  	_ =	strace s4  }
0x94: {  	s4 =	sld [smem:$0x3FFC];
	_ =	sdelay $0x3  }
0x95: {  	_ =	strace s4  }
0x96: {  	s4 =	sld [smem:$0x3FFD];
	_ =	sdelay $0x3  }
0x97: {  	_ =	strace s4  }
0x98: {  	_ =	strace $0x8FFFFFFF  }
0x99: {  	s19 =	sld [smem:$0x3FDB];
	_ =	sdelay $0x1  }
0x9a: {  	s5 =	simm.s32 $_scs_section_size  }
0x9b: {  	s6 =	simm.s32 $_size__tile_overlayer_lowered;
	s7 =	simm.s32 $_tile_overlayer_lowered  }
0x9c: {  	s22 =	simm.s32 $0x1BFF;
	s21 =	sshll.u32 s7, $0x1;
	s4 =	sadd.s32 s5, s19  }
0x9d: {  	s8 =	simm.s32 $0x0;
	s20 =	sshll.u32 s6, $0x1;
	s6 =	sadd.s32 s21, s4  }
0x9e: {  	[timem:s8], [sflag:s22] =	dma.local [hbm:s6], s20  }
0x9f: {  	_ =	swait.ge [sflag:s22], s20  }
0xa0: {  	s5 =	ssub.s32 $0x0, s20;
	[sflag:s22] =	ssyncset.done $0x0  }
0xa1: {  	[sflag:s22] =	ssyncadd.s32 s5;
	_ =	sdelay $0x1  }
0xa2: {  	s23 =	simm.s32 $0x1B8B  }
0xa3: {  	_ =	swait.ge [sflag:s23], $0x1  }
0xa4: {  	[sflag:s23] =	ssyncset.done $0x0  }
0xa5: {  	s25 =	simm.s32 $0x1B8E;
	s24 =	sld [smem:$0x3FFE];
	[sflag:s23] =	ssyncadd.s32 $0xFFFFFFFF  }
0xa6: {  	s26 =	simm.s32 $execute0_lowered;
	[smem:$0x3FD2] =	sst s25  }
0xa7: {  	s6 =	sshll.u32 s26, $0x1;
	_ =	strace $0x80000046;
	[dreg:$0x1] =	wrdreg $0xFFFFFFFF  }
0xa8: {  	s28 =	simm.s32 $_size_execute0_lowered;
	s4 =	sadd.s32 s4, s6;
	[dreg:$0x0] =	wrdreg $0x0  }
0xa9: {  	s6 =	sshll.u32 s28, $0x1;
	[dreg:$0x2] =	wrdreg s4  }
0xaa: {  	[dreg:$0x3] =	wrdreg s6  }
0xab: {  	[dreg:$0x4] =	wrdreg $0xC0  }
0xac: {  	_ =	task [dreg:s8], $0x5FFFF  }
0xad: {  	[dreg:$0x1] =	wrdreg $0xFFFFFFFF  }
0xae: {  	[dreg:$0x0] =	wrdreg $0x60  }
0xaf: {  	[dreg:$0x2] =	wrdreg s18  }
0xb0: {  	[dreg:$0x3] =	wrdreg s2  }
0xb1: {  	[dreg:$0x4] =	wrdreg s24  }
0xb2: {  	[dreg:$0x5] =	wrdreg $0x9  }
0xb3: {  	_ =	task.clear_ibuf [dreg:s8], $0x6FFFF;
	_ =	strace $0x90000046  }
0xb4: {  	s29 =	simm.s32 $0x9;
	_ =	strace $0x80000048  }
0xb5: {  	_ =	swait.ge [sflag:s29], $0x1  }
0xb6: {  	[sflag:s29] =	ssyncadd.s32 $0xFFFFFFFF  }
0xb7: {  	_ =	strace $0x90000048  }
0xb8: {  	_ =	sfence  }
0xb9: {  	s30 =	sld [smem:$0x0];
	_ =	sdelay $0x2  }
0xba: {  	s31 =	sshll.u32 s1, $0xD;
	s1 =	sshrl.u32 s1, $0x2  }
0xbb: {  	s3 =	sand.u32 $0x4000, s31;
	s1 =	sadd.s32 s1, s30  }
0xbc: {  	s0 =	sor.u32 s3, s0;
	s1 =	sshll.u32 s1, $0x11  }
0xbd: {  	s0 =	sor.u32 s1, s0  }
0xbe: {  	s0 =	sadd.s32 $0x8F2B, s0  }
0xbf: {  	[sflag:s0] =	ssyncadd.remote.s32 $0x1  }
0xc0: {  	_ =	sfence.sel $0xFFFF  }
0xc1: {  	[dreg:$0x0] =	wrdreg $0xFFFFFFFF;
	(pc) =	sbr.abs _section_cstart, $3  }
0xc2: {  	[dreg:$0x1] =	wrdreg $0xFFFFFFFF  }
0xc3: {  	_ =	task.clear_ibuf [dreg:s8], $0x2FFFF;
	_ =	strace $0x9FFFFFFF  }
0xc4: {  	(tm) =	ssettm $0x7FFFFFFF  }
0xc5: {  	_ =	shalt  }
tec
execute0_lowered:
.L_overlay_start_1:
0x0: {  	(tag) =	ssettag $0x1  }
0x1: {  	s4 =	rddreg [dreg:$0x0]  }
0x2: {  	s1 =	rddreg [dreg:$0x1]  }
0x3: {  	s5 =	rddreg [dreg:$0x2]  }
0x4: {  	s0 =	rddreg [dreg:$0x3];
	s6 =	srdreg.scid  }
0x5: {  	s3 =	simm.s32 $0x0;
	s2 =	stileid.u32;
	s9 =	simm.s32 $0x80  }
0x6: {  	s10 =	simm.s32 $0x100;
	s11 =	simm.s32 $0x1;
	s12 =	simm.s32 $0x900  }
0x7: {  	s6 =	sand.u32 $0x1, s6;
	s7 =	sshll.u32 s2, $0x5;
	[smem:$0x7FF] =	sst s3  }
0x8: {  	v0 =	vlaneseq.u32;
	s8 =	sshll.u32 s6, $0x4;
	s6 =	ssub.s32 $0x2, s6;
	_ =	strace $0x80000047  }
0x9: {  	v0 =	vmul.u32 $0x2, v0;
	s7 =	sor.u32 s8, s7;
	s31 =	sshrl.u32 s6, $0x1;
	s8 =	simm.s32 $0x10  }
0xa: {  	s5 =	sadd.s32 s7, s5;
	s6 =	ssub.s32 s6, s31;
	s4 =	sadd.s32 s4, s7  }
0xb: {  	[tilespmem:$0x1FFF0] =	vst v0;
	s7 =	simm.s32 $0x2;
	s5 =	sadd.s32 $0x600, s5;
	s6 =	smax.u32 s6, $0x1  }
.LBB2_1:
0xc: {  	[tilespmem:s3], [sflag:$0x2] =	stream.linear.gather [hbm4b:s4+s3], $0x80, $0x38;
	[tilespmem:$0x980] =	vst v63  }
0xd: {  	_ =	swait.ge [sflag:s7], $0x80  }
0xe: {  	[sflag:s7] =	ssyncset.done $0x0  }
0xf: {  	v0 =	vld [tilespmem:$0x1FFF0];
	[sflag:s7] =	ssyncadd.s32 $0xFFFFFF80  }
0x10: {  	v1 =	vld [tilespmem:$0x0];
	_ =	sdelay $0x4  }
0x11: {  	v1 =	vadd.s32 v0, v1  }
0x12: {  	[tilespmem:$0x80] =	vst v1  }
0x13: {  	[tilespmem:s10], [sflag:$0x1] =	stream.indirect.gather [hbm4b:s1+s8], $0x80, s9, s8, $0xb8;
	[tilespmem:$0x980] =	vst v63  }
0x14: {  	_ =	swait.ge [sflag:s11], $0x800  }
0x15: {  	[sflag:s11] =	ssyncset.done $0x0  }
0x16: {  	[sflag:s11] =	ssyncadd.s32 $0xFFFFF800  }
0x17: {  	v1 =	vld [tilespmem:$0x100]  }
0x18: {  	v2 =	vld [tilespmem:$0x180]  }
0x19: {  	v3 =	vld [tilespmem:$0x200]  }
0x1a: {  	v4 =	vld [tilespmem:$0x280]  }
0x1b: {  	v10 =	vld [tilespmem:$0x300]  }
0x1c: {  	v11 =	vld [tilespmem:$0x380]  }
0x1d: {  	v12 =	vld [tilespmem:$0x400]  }
0x1e: {  	v13 =	vld [tilespmem:$0x480]  }
0x1f: {  	v15 =	vld [tilespmem:$0x500]  }
0x20: {  	v17 =	vld [tilespmem:$0x580]  }
0x21: {  	v19 =	vld [tilespmem:$0x600]  }
0x22: {  	v43 =	vld [tilespmem:$0x680]  }
0x23: {  	v44 =	vld [tilespmem:$0x700]  }
0x24: {  	v45 =	vld [tilespmem:$0x780]  }
0x25: {  	v46 =	vld [tilespmem:$0x800]  }
0x26: {  	v47 =	vld [tilespmem:$0x880]  }
0x27: {  	v6 =	vld [tilespmem:$0x110]  }
0x28: {  	v8 =	vld [tilespmem:$0x190]  }
0x29: {  	v20 =	vld [tilespmem:$0x210]  }
0x2a: {  	v21 =	vld [tilespmem:$0x290]  }
0x2b: {  	v22 =	vld [tilespmem:$0x310]  }
0x2c: {  	v23 =	vld [tilespmem:$0x390]  }
0x2d: {  	v24 =	vld [tilespmem:$0x410]  }
0x2e: {  	v25 =	vld [tilespmem:$0x490]  }
0x2f: {  	v26 =	vld [tilespmem:$0x510]  }
0x30: {  	v27 =	vld [tilespmem:$0x590]  }
0x31: {  	v28 =	vld [tilespmem:$0x610]  }
0x32: {  	v29 =	vld [tilespmem:$0x690]  }
0x33: {  	v30 =	vld [tilespmem:$0x710]  }
0x34: {  	v32 =	vld [tilespmem:$0x790]  }
0x35: {  	v48 =	vld [tilespmem:$0x810]  }
0x36: {  	v49 =	vld [tilespmem:$0x890]  }
0x37: {  	v9 =	vld [tilespmem:$0x120]  }
0x38: {  	v34 =	vld [tilespmem:$0x1A0]  }
0x39: {  	v35 =	vld [tilespmem:$0x220]  }
0x3a: {  	v36 =	vld [tilespmem:$0x2A0]  }
0x3b: {  	v37 =	vld [tilespmem:$0x320]  }
0x3c: {  	v38 =	vld [tilespmem:$0x3A0]  }
0x3d: {  	v39 =	vld [tilespmem:$0x420]  }
0x3e: {  	v40 =	vld [tilespmem:$0x4A0]  }
0x3f: {  	v41 =	vld [tilespmem:$0x520]  }
0x40: {  	v42 =	vld [tilespmem:$0x5A0]  }
0x41: {  	v50 =	vld [tilespmem:$0x1B0]  }
0x42: {  	v51 =	vld [tilespmem:$0x230]  }
0x43: {  	v52 =	vld [tilespmem:$0x2B0]  }
0x44: {  	v53 =	vld [tilespmem:$0x330]  }
0x45: {  	v54 =	vld [tilespmem:$0x3B0]  }
0x46: {  	v55 =	vld [tilespmem:$0x430]  }
0x47: {  	v56 =	vld [tilespmem:$0x4B0]  }
0x48: {  	v57 =	vld [tilespmem:$0x530]  }
0x49: {  	v58 =	vld [tilespmem:$0x5B0]  }
0x4a: {  	v59 =	vld [tilespmem:$0x630]  }
0x4b: {  	v60 =	vld [tilespmem:$0x6B0]  }
0x4c: {  	v61 =	vld [tilespmem:$0x730]  }
0x4d: {  	v62 =	vld [tilespmem:$0x7B0]  }
0x4e: {  	v63 =	vld [tilespmem:$0x830]  }
0x4f: {  	v7 =	vld [tilespmem:$0x8B0]  }
0x50: {  	v5 =	vld [tilespmem:$0x140]  }
0x51: {  	v0 =	vld [tilespmem:$0x1C0]  }
0x52: {  	v14 =	vld [tilespmem:$0x240]  }
0x53: {  	v16 =	vld [tilespmem:$0x2C0]  }
0x54: {  	v18 =	vld [tilespmem:$0x340]  }
0x55: {  	v31 =	vld [tilespmem:$0x3C0]  }
0x56: {  	v33 =	vld [tilespmem:$0x440]  }
0x57: {  	[tilespmem:$0x1FF70] =	vst v43;
	v43 =	vld [tilespmem:$0x620]  }
0x58: {  	[tilespmem:$0x1FF80] =	vst v44;
	v44 =	vld [tilespmem:$0x6A0]  }
0x59: {  	[tilespmem:$0x1FF90] =	vst v45;
	v45 =	vld [tilespmem:$0x720]  }
0x5a: {  	[tilespmem:$0x1FFA0] =	vst v46;
	v46 =	vld [tilespmem:$0x7A0]  }
0x5b: {  	[tilespmem:$0x1FFC0] =	vst v47;
	v47 =	vld [tilespmem:$0x820]  }
0x5c: {  	[tilespmem:$0x1FFB0] =	vst v48;
	v48 =	vld [tilespmem:$0x8A0]  }
0x5d: {  	[tilespmem:$0x1FFD0] =	vst v49;
	v49 =	vld [tilespmem:$0x130]  }
0x5e: {  	v1 =	vadd.f32 v2, v1;
	v2 =	vld [tilespmem:$0x4C0]  }
0x5f: {  	v6 =	vadd.f32 v8, v6;
	v8 =	vld [tilespmem:$0x540]  }
0x60: {  	[tilespmem:$0x1FFE0] =	vst v33;
	v33 =	vld [tilespmem:$0x6D0]  }
0x61: {  	v1 =	vadd.f32 v3, v1;
	v3 =	vadd.f32 v34, v9;
	v9 =	vld [tilespmem:$0x5C0]  }
0x62: {  	v34 =	vadd.f32 v20, v6;
	v20 =	vld [tilespmem:$0x640]  }
0x63: {  	v6 =	vld [tilespmem:$0x6C0]  }
0x64: {  	v1 =	vadd.f32 v4, v1;
	v3 =	vadd.f32 v35, v3;
	v4 =	vld [tilespmem:$0x740]  }
0x65: {  	v21 =	vadd.f32 v21, v34;
	v34 =	vld [tilespmem:$0x1D0]  }
0x66: {  	v35 =	vadd.f32 v36, v3;
	v3 =	vld [tilespmem:$0x7C0]  }
0x67: {  	v49 =	vadd.f32 v50, v49;
	v1 =	vadd.f32 v10, v1;
	v10 =	vld [tilespmem:$0x840]  }
0x68: {  	v36 =	vld [tilespmem:$0x8D0]  }
0x69: {  	v21 =	vadd.f32 v22, v21;
	v50 =	vadd.f32 v51, v49;
	v49 =	vld [tilespmem:$0x170]  }
0x6a: {  	v11 =	vadd.f32 v11, v1;
	v1 =	vld [tilespmem:$0x8C0]  }
0x6b: {  	v0 =	vadd.f32 v0, v5;
	v21 =	vadd.f32 v23, v21;
	v23 =	vld [tilespmem:$0x150]  }
0x6c: {  	v51 =	vadd.f32 v52, v50;
	v52 =	vadd.f32 v37, v35;
	v35 =	vld [tilespmem:$0x7D0]  }
0x6d: {  	v50 =	vld [tilespmem:$0x1FFC0]  }
0x6e: {  	v0 =	vadd.f32 v14, v0;
	v37 =	vld [tilespmem:$0x460]  }
0x6f: {  	v21 =	vadd.f32 v24, v21;
	v24 =	vld [tilespmem:$0x250]  }
0x70: {  	v0 =	vadd.f32 v16, v0;
	v22 =	vadd.f32 v53, v51;
	v51 =	vld [tilespmem:$0x1F0]  }
0x71: {  	v11 =	vadd.f32 v12, v11;
	v53 =	vadd.f32 v38, v52;
	v52 =	vld [tilespmem:$0x1FFD0]  }
0x72: {  	v0 =	vadd.f32 v18, v0;
	v38 =	vld [tilespmem:$0x470]  }
0x73: {  	v11 =	vadd.f32 v13, v11;
	v13 =	vld [tilespmem:$0x2D0];
	v22 =	vadd.f32 v54, v22  }
0x74: {  	v21 =	vadd.f32 v25, v21;
	v25 =	vld [tilespmem:$0x350];
	v12 =	vadd.f32 v39, v53  }
0x75: {  	v53 =	vld [tilespmem:$0x260];
	v22 =	vadd.f32 v55, v22  }
0x76: {  	v0 =	vadd.f32 v31, v0;
	v54 =	vld [tilespmem:$0x270];
	v12 =	vadd.f32 v40, v12  }
0x77: {  	v39 =	vld [tilespmem:$0x4E0];
	v21 =	vadd.f32 v26, v21;
	v22 =	vadd.f32 v56, v22  }
0x78: {  	v11 =	vadd.f32 v15, v11;
	v15 =	vld [tilespmem:$0x3D0];
	v12 =	vadd.f32 v41, v12  }
0x79: {  	v40 =	vld [tilespmem:$0x1FFE0];
	v21 =	vadd.f32 v27, v21;
	v22 =	vadd.f32 v57, v22  }
0x7a: {  	v26 =	vld [tilespmem:$0x450];
	v11 =	vadd.f32 v17, v11;
	v12 =	vadd.f32 v42, v12  }
0x7b: {  	v17 =	vld [tilespmem:$0x4D0];
	v21 =	vadd.f32 v28, v21;
	v22 =	vadd.f32 v58, v22  }
0x7c: {  	v55 =	vadd.f32 v34, v23;
	v27 =	vld [tilespmem:$0x550];
	v12 =	vadd.f32 v43, v12  }
0x7d: {  	v56 =	vld [tilespmem:$0x2E0];
	v21 =	vadd.f32 v29, v21;
	v22 =	vadd.f32 v59, v22  }
0x7e: {  	v0 =	vadd.f32 v40, v0;
	v58 =	vld [tilespmem:$0x1FF70];
	v12 =	vadd.f32 v44, v12  }
0x7f: {  	v21 =	vadd.f32 v30, v21;
	v59 =	vld [tilespmem:$0x1FF80];
	v22 =	vadd.f32 v60, v22  }
0x80: {  	v0 =	vadd.f32 v2, v0;
	v12 =	vadd.f32 v45, v12;
	v45 =	vld [tilespmem:$0x1E0]  }
0x81: {  	v11 =	vadd.f32 v19, v11;
	v22 =	vadd.f32 v61, v22;
	v61 =	vld [tilespmem:$0x160]  }
0x82: {  	v41 =	vld [tilespmem:$0x4F0];
	v21 =	vadd.f32 v32, v21;
	v0 =	vadd.f32 v8, v0  }
0x83: {  	v60 =	vld [tilespmem:$0x1FF90];
	v11 =	vadd.f32 v58, v11;
	v22 =	vadd.f32 v62, v22  }
0x84: {  	v19 =	vld [tilespmem:$0x5D0];
	v0 =	vadd.f32 v9, v0;
	v12 =	vadd.f32 v46, v12  }
0x85: {  	v58 =	vld [tilespmem:$0x2F0];
	v11 =	vadd.f32 v59, v11;
	v22 =	vadd.f32 v63, v22  }
0x86: {  	v44 =	vld [tilespmem:$0x1FFA0];
	v59 =	vadd.f32 v51, v49;
	v57 =	vadd.f32 v45, v61  }
0x87: {  	v61 =	vld [tilespmem:$0x370];
	v7 =	vadd.f32 v7, v22;
	v22 =	vadd.f32 v24, v55  }
0x88: {  	v11 =	vadd.f32 v60, v11;
	v60 =	vld [tilespmem:$0x360];
	v5 =	vadd.f32 v54, v59  }
0x89: {  	v63 =	vld [tilespmem:$0x3F0];
	v14 =	vadd.f32 v53, v57;
	v13 =	vadd.f32 v13, v22  }
0x8a: {  	v0 =	vadd.f32 v20, v0;
	v62 =	vld [tilespmem:$0x3E0];
	v5 =	vadd.f32 v58, v5  }
0x8b: {  	v46 =	vld [tilespmem:$0x1FFB0];
	v14 =	vadd.f32 v56, v14;
	v13 =	vadd.f32 v25, v13  }
0x8c: {  	v28 =	vld [tilespmem:$0x650];
	v12 =	vadd.f32 v47, v12;
	v5 =	vadd.f32 v61, v5  }
0x8d: {  	v42 =	vld [tilespmem:$0x560];
	v14 =	vadd.f32 v60, v14;
	v13 =	vadd.f32 v15, v13  }
0x8e: {  	v29 =	vld [tilespmem:$0x750];
	v11 =	vadd.f32 v44, v11;
	v5 =	vadd.f32 v63, v5  }
0x8f: {  	v44 =	vld [tilespmem:$0x570];
	v14 =	vadd.f32 v62, v14;
	v13 =	vadd.f32 v26, v13  }
0x90: {  	v30 =	vld [tilespmem:$0x850];
	v21 =	vadd.f32 v46, v21;
	v5 =	vadd.f32 v38, v5  }
0x91: {  	v46 =	vld [tilespmem:$0x5F0];
	v43 =	vadd.f32 v37, v14;
	v13 =	vadd.f32 v17, v13  }
0x92: {  	v12 =	vadd.f32 v48, v12;
	v45 =	vld [tilespmem:$0x5E0];
	v5 =	vadd.f32 v41, v5  }
0x93: {  	v48 =	vld [tilespmem:$0x670];
	v2 =	vadd.f32 v39, v43;
	v13 =	vadd.f32 v27, v13  }
0x94: {  	v47 =	vld [tilespmem:$0x660];
	v11 =	vadd.f32 v50, v11;
	v5 =	vadd.f32 v44, v5  }
0x95: {  	v50 =	vld [tilespmem:$0x6F0];
	v2 =	vadd.f32 v42, v2;
	v13 =	vadd.f32 v19, v13  }
0x96: {  	v49 =	vld [tilespmem:$0x6E0];
	v21 =	vadd.f32 v52, v21;
	v5 =	vadd.f32 v46, v5  }
0x97: {  	v52 =	vld [tilespmem:$0x770];
	v2 =	vadd.f32 v45, v2;
	v13 =	vadd.f32 v28, v13  }
0x98: {  	v51 =	vld [tilespmem:$0x760];
	v0 =	vadd.f32 v6, v0;
	v5 =	vadd.f32 v48, v5  }
0x99: {  	v54 =	vld [tilespmem:$0x7F0];
	v2 =	vadd.f32 v47, v2;
	v13 =	vadd.f32 v33, v13  }
0x9a: {  	v0 =	vadd.f32 v4, v0;
	v53 =	vld [tilespmem:$0x7E0];
	v5 =	vadd.f32 v50, v5  }
0x9b: {  	v56 =	vld [tilespmem:$0x870];
	v2 =	vadd.f32 v49, v2;
	v13 =	vadd.f32 v29, v13  }
0x9c: {  	v55 =	vld [tilespmem:$0x860];
	v0 =	vadd.f32 v3, v0;
	v5 =	vadd.f32 v52, v5  }
0x9d: {  	v59 =	vld [tilespmem:$0x8F0];
	v2 =	vadd.f32 v51, v2;
	v57 =	vadd.f32 v35, v13  }
0x9e: {  	v58 =	vld [tilespmem:$0x8E0];
	[tilespmem:$0x920] =	vst v12;
	v0 =	vadd.f32 v10, v0;
	v4 =	vadd.f32 v54, v5  }
0x9f: {  	[tilespmem:$0x930] =	vst v7;
	v2 =	vadd.f32 v53, v2;
	v8 =	vadd.f32 v30, v57  }
0xa0: {  	[tilespmem:$0x900] =	vst v11;
	v0 =	vadd.f32 v1, v0;
	v3 =	vadd.f32 v56, v4  }
0xa1: {  	[tilespmem:$0x910] =	vst v21;
	v60 =	vadd.f32 v55, v2;
	v61 =	vadd.f32 v36, v8  }
0xa2: {  	[tilespmem:$0x940] =	vst v0;
	v63 =	vadd.f32 v59, v3  }
0xa3: {  	v62 =	vadd.f32 v58, v60;
	[tilespmem:$0x950] =	vst v61  }
0xa4: {  	p0 =	sne.s32 s6, $0x1;
	[tilespmem:$0x970] =	vst v63  }
.Ltmp0:
0xa5: {  	[tilespmem:$0x960] =	vst v62;
	(pc) =	sbr.rel @p0 .LBB2_1-.Ltmp0, $4  }
0xa6: {  	[hbm4b:s5+s3] =	stream.linear.scatter [tilespmem:s12], [sflag:$0x2], $0x80, $0x38;
	[tilespmem:$0x980] =	vst v63  }
0xa7: {  	_ =	swait.ge [sflag:s7], $0x80  }
0xa8: {  	[sflag:s7] =	ssyncset.done $0x0  }
0xa9: {  	s6 =	sadd.s32 $0xFFFFFFFF, s6;
	[sflag:s7] =	ssyncadd.s32 $0xFFFFFF80  }
0xaa: {  	_ =	sfence.sel $0x180000  }
0xab: {  	[bflag:$0x0] =	sbarrier.arrive $0xFFFF  }
0xac: {  	p0 =	sne.s32 s2, $0x0;
	_ =	strace $0x90000047  }
0xad: {  	s0 =	sadd.s32 @!p0 $0x100000, s0;
	[bflag:$0x2] =	sbarrier.arrive $0xFFFF  }
0xae: {  	[sflag:s0] =	ssyncadd.tile.s32 @!p0 $0x1;
	_ =	shalt  }
.Lfunc_end2:
_tile_overlayer_lowered:
.L_overlay_start_2:
0xaf: {  	(tag) =	ssettag $0x2  }
0xb0: {  	s0 =	rddreg [dreg:$0x0];
	s2 =	stileid.u32  }
0xb1: {  	s1 =	rddreg [dreg:$0x1];
	p0 =	sne.s32 s2, $0x0  }
0xb2: {  	s3 =	rddreg [dreg:$0x2];
	[bflag:$0x3] =	sbarrier.arrive $0xFFFF;
	s2 =	simm.s32 @!p0 $0x1C02  }
0xb3: {  	[timem:s3], [sflag:s2] =	dma.local @!p0 [hbm:s0], s1  }
0xb4: {  	s0 =	simm.s32 @!p0 $0x2  }
0xb5: {  	_ =	swait.ge @!p0 [sflag:s0], s1  }
0xb6: {  	s1 =	ssub.s32 @!p0 $0x0, s1;
	[sflag:s0] =	ssyncset.done @!p0 $0x0  }
0xb7: {  	[sflag:s0] =	ssyncadd.s32 @!p0 s1  }
0xb8: {  	[bflag:$0x3] =	sbarrier.arrive $0xFFFF  }
0xb9: {  	_ =	shalt  }

</sc_bundles>
